<compile_context>
chip_gen: v7x
topology: tpu7x:2x2x1
jax: 0.10.2.dev20260603
libtpu: 0.0.44.dev20260713+nightly
codegen_flags: <defaults>
</compile_context>

<pallas_src>
import functools
import jax
import jax.numpy as jnp
from jax import lax
from jax.experimental import pallas as pl
from jax.experimental.pallas import tpu as pltpu
from jax.experimental.pallas import tpu_sc as plsc

N = 4096
CUTOFF_SQ = 0.25 * 0.25
NW = 32
ROWS_PER_W = N // NW
L = 16


def _sc_kernel(x_hbm, y_hbm, z_hbm, xr_hbm, yr_hbm, zr_hbm, wb_hbm, out_hbm,
               xv, yv, zv, wbv, row_v, xrv, yrv, zrv):
    wid = lax.axis_index("s") * 2 + lax.axis_index("c")
    base = wid * ROWS_PER_W
    pltpu.sync_copy(x_hbm, xv)
    pltpu.sync_copy(y_hbm, yv)
    pltpu.sync_copy(z_hbm, zv)
    pltpu.sync_copy(wb_hbm, wbv)
    pltpu.sync_copy(xr_hbm.at[pl.ds(base * L, ROWS_PER_W * L)], xrv)
    pltpu.sync_copy(yr_hbm.at[pl.ds(base * L, ROWS_PER_W * L)], yrv)
    pltpu.sync_copy(zr_hbm.at[pl.ds(base * L, ROWS_PER_W * L)], zrv)
    w16 = wbv[pl.ds(0, L)]
    b16 = wbv[pl.ds(L, L)]
    half = jnp.full((L,), 0.5, jnp.float32)
    three_half = jnp.full((L,), 1.5, jnp.float32)
    one = jnp.full((L,), 1.0, jnp.float32)
    zero = jnp.zeros((L,), jnp.float32)
    c2 = jnp.full((L,), CUTOFF_SQ, jnp.float32)
    magic = jnp.full((L,), 0x5F3759DF, jnp.int32)

    def row_body(r, carry):
        i = base + r
        xi = xrv[pl.ds(r * L, L)]
        yi = yrv[pl.ds(r * L, L)]
        zi = zrv[pl.ds(r * L, L)]

        def col_body(c, carry2):
            c0 = c * L
            dsq = zero
            for src, ci in ((xv, xi), (yv, yi), (zv, zi)):
                d = src[pl.ds(c0, L)] - ci
                a = jnp.abs(d)
                m = jnp.minimum(a, one - a)
                dsq = dsq + m * m
            mask = (dsq < c2) & (dsq != zero)
            yk = lax.bitcast_convert_type(
                magic - lax.shift_right_logical(
                    lax.bitcast_convert_type(dsq, jnp.int32), 1),
                jnp.float32)
            hx = half * dsq
            for _ in range(3):
                yk = yk * (three_half - hx * yk * yk)
            rr = dsq * yk
            row_v[pl.ds(c0, L)] = jnp.where(mask, rr * w16 + b16, zero)
            return carry2

        lax.fori_loop(0, N // L, col_body, 0, unroll=4)
        pltpu.sync_copy(row_v, out_hbm.at[pl.ds(i * N, N)])
        return carry

    lax.fori_loop(0, ROWS_PER_W, row_body, 0)


def kernel(xyz, W, b):
    xs = xyz[:, 0]
    ys = xyz[:, 1]
    zs = xyz[:, 2]
    wb = jnp.concatenate([
        jnp.broadcast_to(W.reshape(()), (L,)),
        jnp.broadcast_to(b.reshape(()), (L,)),
    ])
    mesh = plsc.VectorSubcoreMesh(core_axis_name="c", subcore_axis_name="s")
    out = functools.partial(
        pl.kernel,
        mesh=mesh,
        out_type=jax.ShapeDtypeStruct((N * N,), jnp.float32),
        scratch_types=[
            pltpu.VMEM((N,), jnp.float32),
            pltpu.VMEM((N,), jnp.float32),
            pltpu.VMEM((N,), jnp.float32),
            pltpu.VMEM((2 * L,), jnp.float32),
            pltpu.VMEM((N,), jnp.float32),
            pltpu.VMEM((ROWS_PER_W * L,), jnp.float32),
            pltpu.VMEM((ROWS_PER_W * L,), jnp.float32),
            pltpu.VMEM((ROWS_PER_W * L,), jnp.float32),
        ],
    )(_sc_kernel)(xs, ys, zs, jnp.repeat(xs, L), jnp.repeat(ys, L),
                  jnp.repeat(zs, L), wb)
    return jax.lax.reshape(out, (N, N, 1))

# --- scband reference (transcript-rebuilt; emitter-appended) ---
"""Pipeline reference for scband-pair-pot-24034636989173 (READ-ONLY COPY).

The authoritative reference and input builder live on the scoring server;
editing this copy changes nothing except your own understanding.
"""

import jax, jax.numpy as jnp
import numpy as np

N = 4096
CELL = jnp.asarray([1.0, 1.0, 1.0], dtype=jnp.float32)
CUTOFF = 0.25


def setup_inputs(seed: int = 0) -> dict:
    key = jax.random.key(seed)
    k1, k2, k3 = jax.random.split(key, 3)
    xyz = jax.random.uniform(k1, (N, 3), dtype=jnp.float32)
    W = jax.random.normal(k2, (1, 1), dtype=jnp.float32)
    b = jax.random.normal(k3, (1,), dtype=jnp.float32) * 0.1
    return {"xyz": xyz, "W": W, "b": b}


def reference(xyz, W, b):
    # pairwise displacement matrix [N, N, 3]
    dis_mat = xyz[None, :, :] - xyz[:, None, :]
    # minimum-image convention (periodic boundary conditions)
    offsets = jax.lax.stop_gradient(
        -(dis_mat >= 0.5 * CELL).astype(jnp.float32)
        + (dis_mat < -0.5 * CELL).astype(jnp.float32)
    )
    dis_mat = dis_mat + offsets * CELL
    dis_sq = jnp.sum(dis_mat ** 2, axis=-1)
    mask = (dis_sq < CUTOFF ** 2) & (dis_sq != 0.0)
    # original torch code does boolean-mask indexing (dynamic shape);
    # we keep static shapes by computing on all pairs with a safe sqrt
    # and zeroing invalid pairs. The math on valid pairs is identical.
    safe_sq = jnp.where(mask, dis_sq, 1.0)
    pair_dis = jnp.sqrt(safe_sq)
    energy = pair_dis[..., None] @ W + b  # Linear(1 -> 1) pair model
    energy = energy * mask[..., None].astype(jnp.float32)
    return energy

if __name__ == "__main__":
    import jax
    _d = setup_inputs()
    print(jax.jit(kernel)(*tuple(_d.values())))

</pallas_src>

<mosaic_0001>
#map = affine_map<(d0, d1) -> (0)>
module attributes {stable_mosaic.version = 14 : i64} {
  func.func @_sc_kernel(%arg0: i32, %arg1: i32, %arg2: memref<4096xf32, #tpu.memory_space<hbm>>, %arg3: memref<4096xf32, #tpu.memory_space<hbm>>, %arg4: memref<4096xf32, #tpu.memory_space<hbm>>, %arg5: memref<65536xf32, #tpu.memory_space<hbm>>, %arg6: memref<65536xf32, #tpu.memory_space<hbm>>, %arg7: memref<65536xf32, #tpu.memory_space<hbm>>, %arg8: memref<32xf32, #tpu.memory_space<hbm>>, %arg9: memref<16777216xf32, #tpu.memory_space<hbm>>, %arg10: memref<4096xf32, #tpu.memory_space<vmem>>, %arg11: memref<4096xf32, #tpu.memory_space<vmem>>, %arg12: memref<4096xf32, #tpu.memory_space<vmem>>, %arg13: memref<32xf32, #tpu.memory_space<vmem>>, %arg14: memref<4096xf32, #tpu.memory_space<vmem>>, %arg15: memref<2048xf32, #tpu.memory_space<vmem>>, %arg16: memref<2048xf32, #tpu.memory_space<vmem>>, %arg17: memref<2048xf32, #tpu.memory_space<vmem>>) attributes {dimension_semantics = [#tpu.dimension_semantics<core_parallel>, #tpu.dimension_semantics<subcore_parallel>], iteration_bounds = array<i64: 2, 16>, scalar_prefetch = 0 : i64, scratch_operands = 8 : i64, tpu.core_type = #tpu.core_type<sc_vector_subcore>, window_params = [{transform_indices = #map}, {transform_indices = #map}, {transform_indices = #map}, {transform_indices = #map}, {transform_indices = #map}, {transform_indices = #map}, {transform_indices = #map}, {transform_indices = #map}]} {
    %mul3A = arith.constant 2 : i32
    %mul3A_0 = arith.muli %arg1, %mul3A : i32
    %add3A = arith.addi %mul3A_0, %arg0 : i32
    %mul3A_1 = arith.constant 128 : i32
    %mul3A_2 = arith.muli %add3A, %mul3A_1 : i32
    "tpu.region"() ({
      %run_scoped3A = tpu.sem_alloc : memref<!tpu.dma_semaphore, #tpu.memory_space<semaphore_mem>>
      tpu.enqueue_dma source(%arg2 : memref<4096xf32, #tpu.memory_space<hbm>>) target(%arg10 : memref<4096xf32, #tpu.memory_space<vmem>>) target_semaphore(%run_scoped3A : memref<!tpu.dma_semaphore, #tpu.memory_space<semaphore_mem>>)
      tpu.wait_dma2 semaphore(%run_scoped3A : memref<!tpu.dma_semaphore, #tpu.memory_space<semaphore_mem>>) src(%arg2 : memref<4096xf32, #tpu.memory_space<hbm>>) dst(%arg10 : memref<4096xf32, #tpu.memory_space<vmem>>)
      tpu.yield
    }) : () -> ()
    "tpu.region"() ({
      %run_scoped3A = tpu.sem_alloc : memref<!tpu.dma_semaphore, #tpu.memory_space<semaphore_mem>>
      tpu.enqueue_dma source(%arg3 : memref<4096xf32, #tpu.memory_space<hbm>>) target(%arg11 : memref<4096xf32, #tpu.memory_space<vmem>>) target_semaphore(%run_scoped3A : memref<!tpu.dma_semaphore, #tpu.memory_space<semaphore_mem>>)
      tpu.wait_dma2 semaphore(%run_scoped3A : memref<!tpu.dma_semaphore, #tpu.memory_space<semaphore_mem>>) src(%arg3 : memref<4096xf32, #tpu.memory_space<hbm>>) dst(%arg11 : memref<4096xf32, #tpu.memory_space<vmem>>)
      tpu.yield
    }) : () -> ()
    "tpu.region"() ({
      %run_scoped3A = tpu.sem_alloc : memref<!tpu.dma_semaphore, #tpu.memory_space<semaphore_mem>>
      tpu.enqueue_dma source(%arg4 : memref<4096xf32, #tpu.memory_space<hbm>>) target(%arg12 : memref<4096xf32, #tpu.memory_space<vmem>>) target_semaphore(%run_scoped3A : memref<!tpu.dma_semaphore, #tpu.memory_space<semaphore_mem>>)
      tpu.wait_dma2 semaphore(%run_scoped3A : memref<!tpu.dma_semaphore, #tpu.memory_space<semaphore_mem>>) src(%arg4 : memref<4096xf32, #tpu.memory_space<hbm>>) dst(%arg12 : memref<4096xf32, #tpu.memory_space<vmem>>)
      tpu.yield
    }) : () -> ()
    "tpu.region"() ({
      %run_scoped3A = tpu.sem_alloc : memref<!tpu.dma_semaphore, #tpu.memory_space<semaphore_mem>>
      tpu.enqueue_dma source(%arg8 : memref<32xf32, #tpu.memory_space<hbm>>) target(%arg13 : memref<32xf32, #tpu.memory_space<vmem>>) target_semaphore(%run_scoped3A : memref<!tpu.dma_semaphore, #tpu.memory_space<semaphore_mem>>)
      tpu.wait_dma2 semaphore(%run_scoped3A : memref<!tpu.dma_semaphore, #tpu.memory_space<semaphore_mem>>) src(%arg8 : memref<32xf32, #tpu.memory_space<hbm>>) dst(%arg13 : memref<32xf32, #tpu.memory_space<vmem>>)
      tpu.yield
    }) : () -> ()
    %mul3A_3 = arith.constant 16 : i32
    %mul3A_4 = arith.muli %mul3A_2, %mul3A_3 : i32
    "tpu.region"() ({
      %run_scoped3A = tpu.sem_alloc : memref<!tpu.dma_semaphore, #tpu.memory_space<semaphore_mem>>
      %dma_start3A = tpu.memref_slice %arg5[%mul3A_4] : memref<65536xf32, #tpu.memory_space<hbm>> -> memref<2048xf32, #tpu.memory_space<hbm>>
      %dma_start3A_30 = tpu.memref_slice %arg5[%mul3A_4] : memref<65536xf32, #tpu.memory_space<hbm>> -> memref<2048xf32, #tpu.memory_space<hbm>>
      tpu.enqueue_dma source(%dma_start3A_30 : memref<2048xf32, #tpu.memory_space<hbm>>) target(%arg15 : memref<2048xf32, #tpu.memory_space<vmem>>) target_semaphore(%run_scoped3A : memref<!tpu.dma_semaphore, #tpu.memory_space<semaphore_mem>>)
      %dma_wait3A = tpu.memref_slice %arg5[%mul3A_4] : memref<65536xf32, #tpu.memory_space<hbm>> -> memref<2048xf32, #tpu.memory_space<hbm>>
      %dma_wait3A_31 = tpu.memref_slice %arg5[%mul3A_4] : memref<65536xf32, #tpu.memory_space<hbm>> -> memref<2048xf32, #tpu.memory_space<hbm>>
      tpu.wait_dma2 semaphore(%run_scoped3A : memref<!tpu.dma_semaphore, #tpu.memory_space<semaphore_mem>>) src(%dma_wait3A_31 : memref<2048xf32, #tpu.memory_space<hbm>>) dst(%arg15 : memref<2048xf32, #tpu.memory_space<vmem>>)
      tpu.yield
    }) : () -> ()
    %mul3A_5 = arith.constant 16 : i32
    %mul3A_6 = arith.muli %mul3A_2, %mul3A_5 : i32
    "tpu.region"() ({
      %run_scoped3A = tpu.sem_alloc : memref<!tpu.dma_semaphore, #tpu.memory_space<semaphore_mem>>
      %dma_start3A = tpu.memref_slice %arg6[%mul3A_6] : memref<65536xf32, #tpu.memory_space<hbm>> -> memref<2048xf32, #tpu.memory_space<hbm>>
      %dma_start3A_30 = tpu.memref_slice %arg6[%mul3A_6] : memref<65536xf32, #tpu.memory_space<hbm>> -> memref<2048xf32, #tpu.memory_space<hbm>>
      tpu.enqueue_dma source(%dma_start3A_30 : memref<2048xf32, #tpu.memory_space<hbm>>) target(%arg16 : memref<2048xf32, #tpu.memory_space<vmem>>) target_semaphore(%run_scoped3A : memref<!tpu.dma_semaphore, #tpu.memory_space<semaphore_mem>>)
      %dma_wait3A = tpu.memref_slice %arg6[%mul3A_6] : memref<65536xf32, #tpu.memory_space<hbm>> -> memref<2048xf32, #tpu.memory_space<hbm>>
      %dma_wait3A_31 = tpu.memref_slice %arg6[%mul3A_6] : memref<65536xf32, #tpu.memory_space<hbm>> -> memref<2048xf32, #tpu.memory_space<hbm>>
      tpu.wait_dma2 semaphore(%run_scoped3A : memref<!tpu.dma_semaphore, #tpu.memory_space<semaphore_mem>>) src(%dma_wait3A_31 : memref<2048xf32, #tpu.memory_space<hbm>>) dst(%arg16 : memref<2048xf32, #tpu.memory_space<vmem>>)
      tpu.yield
    }) : () -> ()
    %mul3A_7 = arith.constant 16 : i32
    %mul3A_8 = arith.muli %mul3A_2, %mul3A_7 : i32
    "tpu.region"() ({
      %run_scoped3A = tpu.sem_alloc : memref<!tpu.dma_semaphore, #tpu.memory_space<semaphore_mem>>
      %dma_start3A = tpu.memref_slice %arg7[%mul3A_8] : memref<65536xf32, #tpu.memory_space<hbm>> -> memref<2048xf32, #tpu.memory_space<hbm>>
      %dma_start3A_30 = tpu.memref_slice %arg7[%mul3A_8] : memref<65536xf32, #tpu.memory_space<hbm>> -> memref<2048xf32, #tpu.memory_space<hbm>>
      tpu.enqueue_dma source(%dma_start3A_30 : memref<2048xf32, #tpu.memory_space<hbm>>) target(%arg17 : memref<2048xf32, #tpu.memory_space<vmem>>) target_semaphore(%run_scoped3A : memref<!tpu.dma_semaphore, #tpu.memory_space<semaphore_mem>>)
      %dma_wait3A = tpu.memref_slice %arg7[%mul3A_8] : memref<65536xf32, #tpu.memory_space<hbm>> -> memref<2048xf32, #tpu.memory_space<hbm>>
      %dma_wait3A_31 = tpu.memref_slice %arg7[%mul3A_8] : memref<65536xf32, #tpu.memory_space<hbm>> -> memref<2048xf32, #tpu.memory_space<hbm>>
      tpu.wait_dma2 semaphore(%run_scoped3A : memref<!tpu.dma_semaphore, #tpu.memory_space<semaphore_mem>>) src(%dma_wait3A_31 : memref<2048xf32, #tpu.memory_space<hbm>>) dst(%arg17 : memref<2048xf32, #tpu.memory_space<vmem>>)
      tpu.yield
    }) : () -> ()
    %get3A = arith.constant 0 : index
    %get3A_9 = tpu.vector_load %arg13[%get3A] {strides = array<i32>} : memref<32xf32, #tpu.memory_space<vmem>>, vector<16xf32>,
    %get3A_10 = vector.shape_cast %get3A_9 : vector<16xf32> to vector<16xf32>
    %get3A_11 = arith.constant 16 : index
    %get3A_12 = tpu.vector_load %arg13[%get3A_11] {strides = array<i32>} : memref<32xf32, #tpu.memory_space<vmem>>, vector<16xf32>,
    %get3A_13 = vector.shape_cast %get3A_12 : vector<16xf32> to vector<16xf32>
    %broadcast_in_dim3A = arith.constant 5.000000e-01 : f32
    %broadcast_in_dim3A_14 = vector.broadcast %broadcast_in_dim3A : f32 to vector<16xf32>
    %broadcast_in_dim3A_15 = arith.constant 1.500000e+00 : f32
    %broadcast_in_dim3A_16 = vector.broadcast %broadcast_in_dim3A_15 : f32 to vector<16xf32>
    %broadcast_in_dim3A_17 = arith.constant 1.000000e+00 : f32
    %broadcast_in_dim3A_18 = vector.broadcast %broadcast_in_dim3A_17 : f32 to vector<16xf32>
    %broadcast_in_dim3A_19 = arith.constant 0.000000e+00 : f32
    %broadcast_in_dim3A_20 = vector.broadcast %broadcast_in_dim3A_19 : f32 to vector<16xf32>
    %broadcast_in_dim3A_21 = arith.constant 6.250000e-02 : f32
    %broadcast_in_dim3A_22 = vector.broadcast %broadcast_in_dim3A_21 : f32 to vector<16xf32>
    %broadcast_in_dim3A_23 = arith.constant 1597463007 : i32
    %broadcast_in_dim3A_24 = vector.broadcast %broadcast_in_dim3A_23 : i32 to vector<16xi32>
    %scan3A = arith.constant 0 : i32
    %scan3A_25 = arith.constant 0 : i32
    %scan3A_26 = arith.constant 128 : i32
    %scan3A_27 = arith.addi %scan3A_25, %scan3A_26 : i32
    %scan3A_28 = arith.constant 1 : i32
    scf.for %scan3A_30 = %scan3A_25 to %scan3A_27 step %scan3A_28  : i32 {
      %add3A_31 = arith.addi %mul3A_2, %scan3A_30 : i32
      %mul3A_32 = arith.constant 16 : i32
      %mul3A_33 = arith.muli %scan3A_30, %mul3A_32 : i32
      %get3A_34 = arith.index_cast %mul3A_33 : i32 to index
      %get3A_35 = tpu.vector_load %arg15[%get3A_34] {strides = array<i32>} : memref<2048xf32, #tpu.memory_space<vmem>>, vector<16xf32>,
      %get3A_36 = vector.shape_cast %get3A_35 : vector<16xf32> to vector<16xf32>
      %mul3A_37 = arith.constant 16 : i32
      %mul3A_38 = arith.muli %scan3A_30, %mul3A_37 : i32
      %get3A_39 = arith.index_cast %mul3A_38 : i32 to index
      %get3A_40 = tpu.vector_load %arg16[%get3A_39] {strides = array<i32>} : memref<2048xf32, #tpu.memory_space<vmem>>, vector<16xf32>,
      %get3A_41 = vector.shape_cast %get3A_40 : vector<16xf32> to vector<16xf32>
      %mul3A_42 = arith.constant 16 : i32
      %mul3A_43 = arith.muli %scan3A_30, %mul3A_42 : i32
      %get3A_44 = arith.index_cast %mul3A_43 : i32 to index
      %get3A_45 = tpu.vector_load %arg17[%get3A_44] {strides = array<i32>} : memref<2048xf32, #tpu.memory_space<vmem>>, vector<16xf32>,
      %get3A_46 = vector.shape_cast %get3A_45 : vector<16xf32> to vector<16xf32>
      %scan3A_47 = arith.constant 0 : i32
      %scan3A_48 = arith.constant 0 : i32
      %scan3A_49 = arith.constant 256 : i32
      %scan3A_50 = arith.addi %scan3A_48, %scan3A_49 : i32
      %scan3A_51 = arith.constant 4 : i32
      scf.for %scan3A_55 = %scan3A_48 to %scan3A_50 step %scan3A_51  : i32 {
        %mul3A_56 = arith.constant 16 : i32
        %mul3A_57 = arith.muli %scan3A_55, %mul3A_56 : i32
        %get3A_58 = arith.index_cast %mul3A_57 : i32 to index
        %get3A_59 = tpu.vector_load %arg10[%get3A_58] {strides = array<i32>} : memref<4096xf32, #tpu.memory_space<vmem>>, vector<16xf32>,
        %get3A_60 = vector.shape_cast %get3A_59 : vector<16xf32> to vector<16xf32>
        %sub3A = arith.subf %get3A_60, %get3A_36 : vector<16xf32>
        %abs3A = math.absf %sub3A : vector<16xf32>
        %sub3A_61 = arith.subf %broadcast_in_dim3A_18, %abs3A : vector<16xf32>
        %min3A = arith.minimumf %abs3A, %sub3A_61 : vector<16xf32>
        %mul3A_62 = arith.mulf %min3A, %min3A : vector<16xf32>
        %add3A_63 = arith.addf %broadcast_in_dim3A_20, %mul3A_62 : vector<16xf32>
        %get3A_64 = arith.index_cast %mul3A_57 : i32 to index
        %get3A_65 = tpu.vector_load %arg11[%get3A_64] {strides = array<i32>} : memref<4096xf32, #tpu.memory_space<vmem>>, vector<16xf32>,
        %get3A_66 = vector.shape_cast %get3A_65 : vector<16xf32> to vector<16xf32>
        %sub3A_67 = arith.subf %get3A_66, %get3A_41 : vector<16xf32>
        %abs3A_68 = math.absf %sub3A_67 : vector<16xf32>
        %sub3A_69 = arith.subf %broadcast_in_dim3A_18, %abs3A_68 : vector<16xf32>
        %min3A_70 = arith.minimumf %abs3A_68, %sub3A_69 : vector<16xf32>
        %mul3A_71 = arith.mulf %min3A_70, %min3A_70 : vector<16xf32>
        %add3A_72 = arith.addf %add3A_63, %mul3A_71 : vector<16xf32>
        %get3A_73 = arith.index_cast %mul3A_57 : i32 to index
        %get3A_74 = tpu.vector_load %arg12[%get3A_73] {strides = array<i32>} : memref<4096xf32, #tpu.memory_space<vmem>>, vector<16xf32>,
        %get3A_75 = vector.shape_cast %get3A_74 : vector<16xf32> to vector<16xf32>
        %sub3A_76 = arith.subf %get3A_75, %get3A_46 : vector<16xf32>
        %abs3A_77 = math.absf %sub3A_76 : vector<16xf32>
        %sub3A_78 = arith.subf %broadcast_in_dim3A_18, %abs3A_77 : vector<16xf32>
        %min3A_79 = arith.minimumf %abs3A_77, %sub3A_78 : vector<16xf32>
        %mul3A_80 = arith.mulf %min3A_79, %min3A_79 : vector<16xf32>
        %add3A_81 = arith.addf %add3A_72, %mul3A_80 : vector<16xf32>
        %lt3A = arith.cmpf olt, %add3A_81, %broadcast_in_dim3A_22 : vector<16xf32>
        %ne3A = arith.cmpf one, %add3A_81, %broadcast_in_dim3A_20 : vector<16xf32>
        %and3A = arith.andi %lt3A, %ne3A : vector<16xi1>
        %bitcast_convert_type3A = tpu.bitcast %add3A_81 : vector<16xf32> -> vector<16xi32>
        %shift_right_logical3A = arith.constant 1 : i32
        %shift_right_logical3A_82 = vector.broadcast %shift_right_logical3A : i32 to vector<16xi32>
        %shift_right_logical3A_83 = arith.shrui %bitcast_convert_type3A, %shift_right_logical3A_82 : vector<16xi32>
        %sub3A_84 = arith.subi %broadcast_in_dim3A_24, %shift_right_logical3A_83 : vector<16xi32>
        %bitcast_convert_type3A_85 = tpu.bitcast %sub3A_84 : vector<16xi32> -> vector<16xf32>
        %mul3A_86 = arith.mulf %broadcast_in_dim3A_14, %add3A_81 : vector<16xf32>
        %mul3A_87 = arith.mulf %mul3A_86, %bitcast_convert_type3A_85 : vector<16xf32>
        %mul3A_88 = arith.mulf %mul3A_87, %bitcast_convert_type3A_85 : vector<16xf32>
        %sub3A_89 = arith.subf %broadcast_in_dim3A_16, %mul3A_88 : vector<16xf32>
        %mul3A_90 = arith.mulf %bitcast_convert_type3A_85, %sub3A_89 : vector<16xf32>
        %mul3A_91 = arith.mulf %mul3A_86, %mul3A_90 : vector<16xf32>
        %mul3A_92 = arith.mulf %mul3A_91, %mul3A_90 : vector<16xf32>
        %sub3A_93 = arith.subf %broadcast_in_dim3A_16, %mul3A_92 : vector<16xf32>
        %mul3A_94 = arith.mulf %mul3A_90, %sub3A_93 : vector<16xf32>
        %mul3A_95 = arith.mulf %mul3A_86, %mul3A_94 : vector<16xf32>
        %mul3A_96 = arith.mulf %mul3A_95, %mul3A_94 : vector<16xf32>
        %sub3A_97 = arith.subf %broadcast_in_dim3A_16, %mul3A_96 : vector<16xf32>
        %mul3A_98 = arith.mulf %mul3A_94, %sub3A_97 : vector<16xf32>
        %mul3A_99 = arith.mulf %add3A_81, %mul3A_98 : vector<16xf32>
        %mul3A_100 = arith.mulf %mul3A_99, %get3A_10 : vector<16xf32>
        %add3A_101 = arith.addf %mul3A_100, %get3A_13 : vector<16xf32>
        %select_n3A = arith.select %and3A, %add3A_101, %broadcast_in_dim3A_20 : vector<16xi1>, vector<16xf32>
        %swap3A = arith.index_cast %mul3A_57 : i32 to index
        %swap3A_102 = tpu.vector_load %arg14[%swap3A] {strides = array<i32>} : memref<4096xf32, #tpu.memory_space<vmem>>, vector<16xf32>,
        %swap3A_103 = vector.shape_cast %swap3A_102 : vector<16xf32> to vector<16xf32>
        %swap3A_104 = vector.shape_cast %select_n3A : vector<16xf32> to vector<16xf32>
        tpu.vector_store %arg14[%swap3A], %swap3A_104 {strides = array<i32>} : memref<4096xf32, #tpu.memory_space<vmem>>, vector<16xf32>,
        %scan3A_105 = arith.constant 1 : i32
        %scan3A_106 = arith.addi %scan3A_55, %scan3A_105 : i32
        %mul3A_107 = arith.constant 16 : i32
        %mul3A_108 = arith.muli %scan3A_106, %mul3A_107 : i32
        %get3A_109 = arith.index_cast %mul3A_108 : i32 to index
        %get3A_110 = tpu.vector_load %arg10[%get3A_109] {strides = array<i32>} : memref<4096xf32, #tpu.memory_space<vmem>>, vector<16xf32>,
        %get3A_111 = vector.shape_cast %get3A_110 : vector<16xf32> to vector<16xf32>
        %sub3A_112 = arith.subf %get3A_111, %get3A_36 : vector<16xf32>
        %abs3A_113 = math.absf %sub3A_112 : vector<16xf32>
        %sub3A_114 = arith.subf %broadcast_in_dim3A_18, %abs3A_113 : vector<16xf32>
        %min3A_115 = arith.minimumf %abs3A_113, %sub3A_114 : vector<16xf32>
        %mul3A_116 = arith.mulf %min3A_115, %min3A_115 : vector<16xf32>
        %add3A_117 = arith.addf %broadcast_in_dim3A_20, %mul3A_116 : vector<16xf32>
        %get3A_118 = arith.index_cast %mul3A_108 : i32 to index
        %get3A_119 = tpu.vector_load %arg11[%get3A_118] {strides = array<i32>} : memref<4096xf32, #tpu.memory_space<vmem>>, vector<16xf32>,
        %get3A_120 = vector.shape_cast %get3A_119 : vector<16xf32> to vector<16xf32>
        %sub3A_121 = arith.subf %get3A_120, %get3A_41 : vector<16xf32>
        %abs3A_122 = math.absf %sub3A_121 : vector<16xf32>
        %sub3A_123 = arith.subf %broadcast_in_dim3A_18, %abs3A_122 : vector<16xf32>
        %min3A_124 = arith.minimumf %abs3A_122, %sub3A_123 : vector<16xf32>
        %mul3A_125 = arith.mulf %min3A_124, %min3A_124 : vector<16xf32>
        %add3A_126 = arith.addf %add3A_117, %mul3A_125 : vector<16xf32>
        %get3A_127 = arith.index_cast %mul3A_108 : i32 to index
        %get3A_128 = tpu.vector_load %arg12[%get3A_127] {strides = array<i32>} : memref<4096xf32, #tpu.memory_space<vmem>>, vector<16xf32>,
        %get3A_129 = vector.shape_cast %get3A_128 : vector<16xf32> to vector<16xf32>
        %sub3A_130 = arith.subf %get3A_129, %get3A_46 : vector<16xf32>
        %abs3A_131 = math.absf %sub3A_130 : vector<16xf32>
        %sub3A_132 = arith.subf %broadcast_in_dim3A_18, %abs3A_131 : vector<16xf32>
        %min3A_133 = arith.minimumf %abs3A_131, %sub3A_132 : vector<16xf32>
        %mul3A_134 = arith.mulf %min3A_133, %min3A_133 : vector<16xf32>
        %add3A_135 = arith.addf %add3A_126, %mul3A_134 : vector<16xf32>
        %lt3A_136 = arith.cmpf olt, %add3A_135, %broadcast_in_dim3A_22 : vector<16xf32>
        %ne3A_137 = arith.cmpf one, %add3A_135, %broadcast_in_dim3A_20 : vector<16xf32>
        %and3A_138 = arith.andi %lt3A_136, %ne3A_137 : vector<16xi1>
        %bitcast_convert_type3A_139 = tpu.bitcast %add3A_135 : vector<16xf32> -> vector<16xi32>
        %shift_right_logical3A_140 = arith.constant 1 : i32
        %shift_right_logical3A_141 = vector.broadcast %shift_right_logical3A_140 : i32 to vector<16xi32>
        %shift_right_logical3A_142 = arith.shrui %bitcast_convert_type3A_139, %shift_right_logical3A_141 : vector<16xi32>
        %sub3A_143 = arith.subi %broadcast_in_dim3A_24, %shift_right_logical3A_142 : vector<16xi32>
        %bitcast_convert_type3A_144 = tpu.bitcast %sub3A_143 : vector<16xi32> -> vector<16xf32>
        %mul3A_145 = arith.mulf %broadcast_in_dim3A_14, %add3A_135 : vector<16xf32>
        %mul3A_146 = arith.mulf %mul3A_145, %bitcast_convert_type3A_144 : vector<16xf32>
        %mul3A_147 = arith.mulf %mul3A_146, %bitcast_convert_type3A_144 : vector<16xf32>
        %sub3A_148 = arith.subf %broadcast_in_dim3A_16, %mul3A_147 : vector<16xf32>
        %mul3A_149 = arith.mulf %bitcast_convert_type3A_144, %sub3A_148 : vector<16xf32>
        %mul3A_150 = arith.mulf %mul3A_145, %mul3A_149 : vector<16xf32>
        %mul3A_151 = arith.mulf %mul3A_150, %mul3A_149 : vector<16xf32>
        %sub3A_152 = arith.subf %broadcast_in_dim3A_16, %mul3A_151 : vector<16xf32>
        %mul3A_153 = arith.mulf %mul3A_149, %sub3A_152 : vector<16xf32>
        %mul3A_154 = arith.mulf %mul3A_145, %mul3A_153 : vector<16xf32>
        %mul3A_155 = arith.mulf %mul3A_154, %mul3A_153 : vector<16xf32>
        %sub3A_156 = arith.subf %broadcast_in_dim3A_16, %mul3A_155 : vector<16xf32>
        %mul3A_157 = arith.mulf %mul3A_153, %sub3A_156 : vector<16xf32>
        %mul3A_158 = arith.mulf %add3A_135, %mul3A_157 : vector<16xf32>
        %mul3A_159 = arith.mulf %mul3A_158, %get3A_10 : vector<16xf32>
        %add3A_160 = arith.addf %mul3A_159, %get3A_13 : vector<16xf32>
        %select_n3A_161 = arith.select %and3A_138, %add3A_160, %broadcast_in_dim3A_20 : vector<16xi1>, vector<16xf32>
        %swap3A_162 = arith.index_cast %mul3A_108 : i32 to index
        %swap3A_163 = tpu.vector_load %arg14[%swap3A_162] {strides = array<i32>} : memref<4096xf32, #tpu.memory_space<vmem>>, vector<16xf32>,
        %swap3A_164 = vector.shape_cast %swap3A_163 : vector<16xf32> to vector<16xf32>
        %swap3A_165 = vector.shape_cast %select_n3A_161 : vector<16xf32> to vector<16xf32>
        tpu.vector_store %arg14[%swap3A_162], %swap3A_165 {strides = array<i32>} : memref<4096xf32, #tpu.memory_space<vmem>>, vector<16xf32>,
        %scan3A_166 = arith.constant 2 : i32
        %scan3A_167 = arith.addi %scan3A_55, %scan3A_166 : i32
        %mul3A_168 = arith.constant 16 : i32
        %mul3A_169 = arith.muli %scan3A_167, %mul3A_168 : i32
        %get3A_170 = arith.index_cast %mul3A_169 : i32 to index
        %get3A_171 = tpu.vector_load %arg10[%get3A_170] {strides = array<i32>} : memref<4096xf32, #tpu.memory_space<vmem>>, vector<16xf32>,
        %get3A_172 = vector.shape_cast %get3A_171 : vector<16xf32> to vector<16xf32>
        %sub3A_173 = arith.subf %get3A_172, %get3A_36 : vector<16xf32>
        %abs3A_174 = math.absf %sub3A_173 : vector<16xf32>
        %sub3A_175 = arith.subf %broadcast_in_dim3A_18, %abs3A_174 : vector<16xf32>
        %min3A_176 = arith.minimumf %abs3A_174, %sub3A_175 : vector<16xf32>
        %mul3A_177 = arith.mulf %min3A_176, %min3A_176 : vector<16xf32>
        %add3A_178 = arith.addf %broadcast_in_dim3A_20, %mul3A_177 : vector<16xf32>
        %get3A_179 = arith.index_cast %mul3A_169 : i32 to index
        %get3A_180 = tpu.vector_load %arg11[%get3A_179] {strides = array<i32>} : memref<4096xf32, #tpu.memory_space<vmem>>, vector<16xf32>,
        %get3A_181 = vector.shape_cast %get3A_180 : vector<16xf32> to vector<16xf32>
        %sub3A_182 = arith.subf %get3A_181, %get3A_41 : vector<16xf32>
        %abs3A_183 = math.absf %sub3A_182 : vector<16xf32>
        %sub3A_184 = arith.subf %broadcast_in_dim3A_18, %abs3A_183 : vector<16xf32>
        %min3A_185 = arith.minimumf %abs3A_183, %sub3A_184 : vector<16xf32>
        %mul3A_186 = arith.mulf %min3A_185, %min3A_185 : vector<16xf32>
        %add3A_187 = arith.addf %add3A_178, %mul3A_186 : vector<16xf32>
        %get3A_188 = arith.index_cast %mul3A_169 : i32 to index
        %get3A_189 = tpu.vector_load %arg12[%get3A_188] {strides = array<i32>} : memref<4096xf32, #tpu.memory_space<vmem>>, vector<16xf32>,
        %get3A_190 = vector.shape_cast %get3A_189 : vector<16xf32> to vector<16xf32>
        %sub3A_191 = arith.subf %get3A_190, %get3A_46 : vector<16xf32>
        %abs3A_192 = math.absf %sub3A_191 : vector<16xf32>
        %sub3A_193 = arith.subf %broadcast_in_dim3A_18, %abs3A_192 : vector<16xf32>
        %min3A_194 = arith.minimumf %abs3A_192, %sub3A_193 : vector<16xf32>
        %mul3A_195 = arith.mulf %min3A_194, %min3A_194 : vector<16xf32>
        %add3A_196 = arith.addf %add3A_187, %mul3A_195 : vector<16xf32>
        %lt3A_197 = arith.cmpf olt, %add3A_196, %broadcast_in_dim3A_22 : vector<16xf32>
        %ne3A_198 = arith.cmpf one, %add3A_196, %broadcast_in_dim3A_20 : vector<16xf32>
        %and3A_199 = arith.andi %lt3A_197, %ne3A_198 : vector<16xi1>
        %bitcast_convert_type3A_200 = tpu.bitcast %add3A_196 : vector<16xf32> -> vector<16xi32>
        %shift_right_logical3A_201 = arith.constant 1 : i32
        %shift_right_logical3A_202 = vector.broadcast %shift_right_logical3A_201 : i32 to vector<16xi32>
        %shift_right_logical3A_203 = arith.shrui %bitcast_convert_type3A_200, %shift_right_logical3A_202 : vector<16xi32>
        %sub3A_204 = arith.subi %broadcast_in_dim3A_24, %shift_right_logical3A_203 : vector<16xi32>
        %bitcast_convert_type3A_205 = tpu.bitcast %sub3A_204 : vector<16xi32> -> vector<16xf32>
        %mul3A_206 = arith.mulf %broadcast_in_dim3A_14, %add3A_196 : vector<16xf32>
        %mul3A_207 = arith.mulf %mul3A_206, %bitcast_convert_type3A_205 : vector<16xf32>
        %mul3A_208 = arith.mulf %mul3A_207, %bitcast_convert_type3A_205 : vector<16xf32>
        %sub3A_209 = arith.subf %broadcast_in_dim3A_16, %mul3A_208 : vector<16xf32>
        %mul3A_210 = arith.mulf %bitcast_convert_type3A_205, %sub3A_209 : vector<16xf32>
        %mul3A_211 = arith.mulf %mul3A_206, %mul3A_210 : vector<16xf32>
        %mul3A_212 = arith.mulf %mul3A_211, %mul3A_210 : vector<16xf32>
        %sub3A_213 = arith.subf %broadcast_in_dim3A_16, %mul3A_212 : vector<16xf32>
        %mul3A_214 = arith.mulf %mul3A_210, %sub3A_213 : vector<16xf32>
        %mul3A_215 = arith.mulf %mul3A_206, %mul3A_214 : vector<16xf32>
        %mul3A_216 = arith.mulf %mul3A_215, %mul3A_214 : vector<16xf32>
        %sub3A_217 = arith.subf %broadcast_in_dim3A_16, %mul3A_216 : vector<16xf32>
        %mul3A_218 = arith.mulf %mul3A_214, %sub3A_217 : vector<16xf32>
        %mul3A_219 = arith.mulf %add3A_196, %mul3A_218 : vector<16xf32>
        %mul3A_220 = arith.mulf %mul3A_219, %get3A_10 : vector<16xf32>
        %add3A_221 = arith.addf %mul3A_220, %get3A_13 : vector<16xf32>
        %select_n3A_222 = arith.select %and3A_199, %add3A_221, %broadcast_in_dim3A_20 : vector<16xi1>, vector<16xf32>
        %swap3A_223 = arith.index_cast %mul3A_169 : i32 to index
        %swap3A_224 = tpu.vector_load %arg14[%swap3A_223] {strides = array<i32>} : memref<4096xf32, #tpu.memory_space<vmem>>, vector<16xf32>,
        %swap3A_225 = vector.shape_cast %swap3A_224 : vector<16xf32> to vector<16xf32>
        %swap3A_226 = vector.shape_cast %select_n3A_222 : vector<16xf32> to vector<16xf32>
        tpu.vector_store %arg14[%swap3A_223], %swap3A_226 {strides = array<i32>} : memref<4096xf32, #tpu.memory_space<vmem>>, vector<16xf32>,
        %scan3A_227 = arith.constant 3 : i32
        %scan3A_228 = arith.addi %scan3A_55, %scan3A_227 : i32
        %mul3A_229 = arith.constant 16 : i32
        %mul3A_230 = arith.muli %scan3A_228, %mul3A_229 : i32
        %get3A_231 = arith.index_cast %mul3A_230 : i32 to index
        %get3A_232 = tpu.vector_load %arg10[%get3A_231] {strides = array<i32>} : memref<4096xf32, #tpu.memory_space<vmem>>, vector<16xf32>,
        %get3A_233 = vector.shape_cast %get3A_232 : vector<16xf32> to vector<16xf32>
        %sub3A_234 = arith.subf %get3A_233, %get3A_36 : vector<16xf32>
        %abs3A_235 = math.absf %sub3A_234 : vector<16xf32>
        %sub3A_236 = arith.subf %broadcast_in_dim3A_18, %abs3A_235 : vector<16xf32>
        %min3A_237 = arith.minimumf %abs3A_235, %sub3A_236 : vector<16xf32>
        %mul3A_238 = arith.mulf %min3A_237, %min3A_237 : vector<16xf32>
        %add3A_239 = arith.addf %broadcast_in_dim3A_20, %mul3A_238 : vector<16xf32>
        %get3A_240 = arith.index_cast %mul3A_230 : i32 to index
        %get3A_241 = tpu.vector_load %arg11[%get3A_240] {strides = array<i32>} : memref<4096xf32, #tpu.memory_space<vmem>>, vector<16xf32>,
        %get3A_242 = vector.shape_cast %get3A_241 : vector<16xf32> to vector<16xf32>
        %sub3A_243 = arith.subf %get3A_242, %get3A_41 : vector<16xf32>
        %abs3A_244 = math.absf %sub3A_243 : vector<16xf32>
        %sub3A_245 = arith.subf %broadcast_in_dim3A_18, %abs3A_244 : vector<16xf32>
        %min3A_246 = arith.minimumf %abs3A_244, %sub3A_245 : vector<16xf32>
        %mul3A_247 = arith.mulf %min3A_246, %min3A_246 : vector<16xf32>
        %add3A_248 = arith.addf %add3A_239, %mul3A_247 : vector<16xf32>
        %get3A_249 = arith.index_cast %mul3A_230 : i32 to index
        %get3A_250 = tpu.vector_load %arg12[%get3A_249] {strides = array<i32>} : memref<4096xf32, #tpu.memory_space<vmem>>, vector<16xf32>,
        %get3A_251 = vector.shape_cast %get3A_250 : vector<16xf32> to vector<16xf32>
        %sub3A_252 = arith.subf %get3A_251, %get3A_46 : vector<16xf32>
        %abs3A_253 = math.absf %sub3A_252 : vector<16xf32>
        %sub3A_254 = arith.subf %broadcast_in_dim3A_18, %abs3A_253 : vector<16xf32>
        %min3A_255 = arith.minimumf %abs3A_253, %sub3A_254 : vector<16xf32>
        %mul3A_256 = arith.mulf %min3A_255, %min3A_255 : vector<16xf32>
        %add3A_257 = arith.addf %add3A_248, %mul3A_256 : vector<16xf32>
        %lt3A_258 = arith.cmpf olt, %add3A_257, %broadcast_in_dim3A_22 : vector<16xf32>
        %ne3A_259 = arith.cmpf one, %add3A_257, %broadcast_in_dim3A_20 : vector<16xf32>
        %and3A_260 = arith.andi %lt3A_258, %ne3A_259 : vector<16xi1>
        %bitcast_convert_type3A_261 = tpu.bitcast %add3A_257 : vector<16xf32> -> vector<16xi32>
        %shift_right_logical3A_262 = arith.constant 1 : i32
        %shift_right_logical3A_263 = vector.broadcast %shift_right_logical3A_262 : i32 to vector<16xi32>
        %shift_right_logical3A_264 = arith.shrui %bitcast_convert_type3A_261, %shift_right_logical3A_263 : vector<16xi32>
        %sub3A_265 = arith.subi %broadcast_in_dim3A_24, %shift_right_logical3A_264 : vector<16xi32>
        %bitcast_convert_type3A_266 = tpu.bitcast %sub3A_265 : vector<16xi32> -> vector<16xf32>
        %mul3A_267 = arith.mulf %broadcast_in_dim3A_14, %add3A_257 : vector<16xf32>
        %mul3A_268 = arith.mulf %mul3A_267, %bitcast_convert_type3A_266 : vector<16xf32>
        %mul3A_269 = arith.mulf %mul3A_268, %bitcast_convert_type3A_266 : vector<16xf32>
        %sub3A_270 = arith.subf %broadcast_in_dim3A_16, %mul3A_269 : vector<16xf32>
        %mul3A_271 = arith.mulf %bitcast_convert_type3A_266, %sub3A_270 : vector<16xf32>
        %mul3A_272 = arith.mulf %mul3A_267, %mul3A_271 : vector<16xf32>
        %mul3A_273 = arith.mulf %mul3A_272, %mul3A_271 : vector<16xf32>
        %sub3A_274 = arith.subf %broadcast_in_dim3A_16, %mul3A_273 : vector<16xf32>
        %mul3A_275 = arith.mulf %mul3A_271, %sub3A_274 : vector<16xf32>
        %mul3A_276 = arith.mulf %mul3A_267, %mul3A_275 : vector<16xf32>
        %mul3A_277 = arith.mulf %mul3A_276, %mul3A_275 : vector<16xf32>
        %sub3A_278 = arith.subf %broadcast_in_dim3A_16, %mul3A_277 : vector<16xf32>
        %mul3A_279 = arith.mulf %mul3A_275, %sub3A_278 : vector<16xf32>
        %mul3A_280 = arith.mulf %add3A_257, %mul3A_279 : vector<16xf32>
        %mul3A_281 = arith.mulf %mul3A_280, %get3A_10 : vector<16xf32>
        %add3A_282 = arith.addf %mul3A_281, %get3A_13 : vector<16xf32>
        %select_n3A_283 = arith.select %and3A_260, %add3A_282, %broadcast_in_dim3A_20 : vector<16xi1>, vector<16xf32>
        %swap3A_284 = arith.index_cast %mul3A_230 : i32 to index
        %swap3A_285 = tpu.vector_load %arg14[%swap3A_284] {strides = array<i32>} : memref<4096xf32, #tpu.memory_space<vmem>>, vector<16xf32>,
        %swap3A_286 = vector.shape_cast %swap3A_285 : vector<16xf32> to vector<16xf32>
        %swap3A_287 = vector.shape_cast %select_n3A_283 : vector<16xf32> to vector<16xf32>
        tpu.vector_store %arg14[%swap3A_284], %swap3A_287 {strides = array<i32>} : memref<4096xf32, #tpu.memory_space<vmem>>, vector<16xf32>,
      }
      %scan3A_52 = arith.constant 256 : i32
      %mul3A_53 = arith.constant 4096 : i32
      %mul3A_54 = arith.muli %add3A_31, %mul3A_53 : i32
      "tpu.region"() ({
        %run_scoped3A = tpu.sem_alloc : memref<!tpu.dma_semaphore, #tpu.memory_space<semaphore_mem>>
        %dma_start3A = tpu.memref_slice %arg9[%mul3A_54] : memref<16777216xf32, #tpu.memory_space<hbm>> -> memref<4096xf32, #tpu.memory_space<hbm>>
        %dma_start3A_55 = tpu.memref_slice %arg9[%mul3A_54] : memref<16777216xf32, #tpu.memory_space<hbm>> -> memref<4096xf32, #tpu.memory_space<hbm>>
        tpu.enqueue_dma source(%arg14 : memref<4096xf32, #tpu.memory_space<vmem>>) target(%dma_start3A_55 : memref<4096xf32, #tpu.memory_space<hbm>>) target_semaphore(%run_scoped3A : memref<!tpu.dma_semaphore, #tpu.memory_space<semaphore_mem>>)
        %dma_wait3A = tpu.memref_slice %arg9[%mul3A_54] : memref<16777216xf32, #tpu.memory_space<hbm>> -> memref<4096xf32, #tpu.memory_space<hbm>>
        %dma_wait3A_56 = tpu.memref_slice %arg9[%mul3A_54] : memref<16777216xf32, #tpu.memory_space<hbm>> -> memref<4096xf32, #tpu.memory_space<hbm>>
        tpu.wait_dma2 semaphore(%run_scoped3A : memref<!tpu.dma_semaphore, #tpu.memory_space<semaphore_mem>>) src(%arg14 : memref<4096xf32, #tpu.memory_space<vmem>>) dst(%dma_wait3A_56 : memref<4096xf32, #tpu.memory_space<hbm>>)
        tpu.yield
      }) : () -> ()
    }
    %scan3A_29 = arith.constant 128 : i32
    return
  }
}

</mosaic_0001>

<sc_bundles>
// kernel: kernel.3.cloned.1.call-start
scs
__scs_entry_jumppad:
0x0: {  	(pc) =	sbr.rel $0x88, $3  }
0x1: {  	(tag) =	ssettag $0x0;
	lr =	simm.s32 $0x1  }
0x2: {  	[smem:$0x3F9E] =	sst lr;
	_ =	strace $0xD0000000  }
0x3: {  	_ = 	snop  }
0x4: {  	_ = 	snop  }
0x5: {  	_ = 	snop  }
0x6: {  	_ = 	snop  }
0x7: {  	_ = 	snop  }
__scs_overlays_trampoline_lowered:
0x8: {  	[smem:$0x3FAD] =	sst s0  }
0x9: {  	[smem:$0x3FAE] =	sst s1  }
0xa: {  	[smem:$0x3FAF] =	sst s2  }
0xb: {  	[smem:$0x3FB0] =	sst s3  }
0xc: {  	[smem:$0x3FB1] =	sst s4  }
0xd: {  	[smem:$0x3FB2] =	sst s5  }
0xe: {  	[smem:$0x3FB3] =	sst s6  }
0xf: {  	[smem:$0x3FB4] =	sst s7  }
0x10: {  	[smem:$0x3FB5] =	sst s8  }
0x11: {  	[smem:$0x3FB6] =	sst s9;
	s0 =	simm.s32 @!p0 $0x0  }
0x12: {  	s1 =	sld [smem:$0x3F9C];
	s0 =	simm.s32 @p0 $0x1  }
0x13: {  	[smem:$0x3FB7] =	sst s0;
	s0 =	simm.s32 @!p1 $0x0  }
0x14: {  	s2 =	sld [smem:$0x3F9B];
	s0 =	simm.s32 @p1 $0x1  }
0x15: {  	[smem:$0x3FB8] =	sst s0;
	s0 =	simm.s32 @!p2 $0x0  }
0x16: {  	s3 =	sld [smem:$0x3FDB];
	s0 =	simm.s32 @p2 $0x1  }
0x17: {  	s4 =	simm.s32 $0x1BF5;
	[smem:$0x3FBA] =	sst s0  }
0x18: {  	s0 =	sld [smem:$0x3F9D];
	_ =	swait.ge [sflag:s4], $0x0  }
0x19: {  	s7 =	sld [smem:$0x3F9E]  }
0x1a: {  	s8 =	sadd.s32 $0xFFFFE003, lr  }
0x1b: {  	s9 =	sadd.s32 $0xFFFFFEF7, lr;
	s5 =	simm.s32 $0xFFFFFFFF;
	p2 =	slt.u32 s8, $0xFFFFF086  }
0x1c: {  	p1 =	slt.u32 s9, $0xF7A;
	s5 =	simm.s32 @!p2 $0x0  }
0x1d: {  	s5 =	simm.s32 @p1 $0x1;
	p0 =	seq.s32 s7, s2  }
0x1e: {  	s7 =	smul.u32 @!p0 $0xF7A, s2;
	p2 =	seq.s32 @!p0 s5, $0x0  }
0x1f: {  	s9 =	smul.u32 $0xF7A, s1;
	s8 =	simm.s32 @!p0 $0x1BF5;
	p2 =	por !p2, p0  }
0x20: {  	[sflag:s8] =	ssyncset.s32 @!p0 $0xFFFFF086;
	s6 =	sadd.s32 @!p0 s3, s7;
	s7 =	simm.s32 @!p0 $0x108  }
0x21: {  	s3 =	sadd.s32 s3, s9;
	s6 =	sadd.s32 @!p0 $0x88, s6;
	s7 =	simm.s32 @p2 $0x1082  }
0x22: {  	[simem:s7], [sflag:s8] =	dma.local @!p0 [hbm:s6], $0xF7A  }
0x23: {  	s9 =	sor.u32 $0xD0000000, s2;
	s6 =	simm.s32 $0x108;
	_ =	swait.ge @!p0 [sflag:s8], $0x0  }
0x24: {  	s3 =	sadd.s32 $0x88, s3;
	s6 =	simm.s32 @!p1 $0x1082;
	[sflag:s4] =	ssyncset.s32 $0xFFFFF086  }
0x25: {  	[simem:s6], [sflag:s4] =	dma.local [hbm:s3], $0xF7A  }
0x26: {  	[smem:$0x3F9E] =	sst s1;
	(tag) =	ssettag s2;
	_ =	strace s9  }
0x27: {  	s1 =	sld [smem:$0x3FAE]  }
0x28: {  	s2 =	sld [smem:$0x3FAF]  }
0x29: {  	s4 =	sld [smem:$0x3FB1]  }
0x2a: {  	p0 =	seq.s32 s5, $0x0;
	s5 =	sld [smem:$0x3FB2]  }
0x2b: {  	s6 =	sld [smem:$0x3FB3]  }
0x2c: {  	s7 =	sld [smem:$0x3FB4]  }
0x2d: {  	s3 =	simm.s32 $0x108;
	s8 =	sld [smem:$0x3FB5]  }
0x2e: {  	s3 =	simm.s32 @!p0 $0x1082;
	s9 =	sld [smem:$0x3FB6]  }
0x2f: {  	lr =	sadd.s32 s0, s3;
	s0 =	sld [smem:$0x3FAD]  }
0x30: {  	s3 =	sld [smem:$0x3FB0]  }
0x31: {  	[smem:$0x3FB9] =	sst s10  }
0x32: {  	s10 =	sld [smem:$0x3FB7];
	_ =	sdelay $0x3  }
0x33: {  	p0 =	seq.s32 s10, $0x1;
	s10 =	sld [smem:$0x3FB9];
	_ =	sdelay $0x3  }
0x34: {  	[smem:$0x3FB9] =	sst s10  }
0x35: {  	s10 =	sld [smem:$0x3FB8];
	_ =	sdelay $0x3  }
0x36: {  	p1 =	seq.s32 s10, $0x1;
	s10 =	sld [smem:$0x3FB9];
	_ =	sdelay $0x3  }
0x37: {  	[smem:$0x3FB9] =	sst s10  }
0x38: {  	s10 =	sld [smem:$0x3FBA]  }
0x39: {  	_ = 	snop;
	(pc) =	sbr.ind lr, $3  }
0x3a: {  	_ = 	snop  }
0x3b: {  	_ = 	snop  }
0x3c: {  	p2 =	seq.s32 s10, $0x1;
	s10 =	sld [smem:$0x3FB9]  }
0x3d: {  	_ =	shalt  }
0x3e: {  	_ =	shalt  }
0x3f: {  	_ =	shalt  }
0x40: {  	_ =	shalt  }
0x41: {  	_ =	shalt  }
0x42: {  	_ =	shalt  }
0x43: {  	_ =	shalt  }
0x44: {  	_ =	shalt  }
0x45: {  	_ =	shalt  }
0x46: {  	_ =	shalt  }
0x47: {  	_ =	shalt  }
0x48: {  	_ =	shalt  }
0x49: {  	_ =	shalt  }
0x4a: {  	_ =	shalt  }
0x4b: {  	_ =	shalt  }
0x4c: {  	_ =	shalt  }
0x4d: {  	_ =	shalt  }
0x4e: {  	_ =	shalt  }
0x4f: {  	_ =	shalt  }
0x50: {  	_ =	shalt  }
0x51: {  	_ =	shalt  }
0x52: {  	_ =	shalt  }
0x53: {  	_ =	shalt  }
0x54: {  	_ =	shalt  }
0x55: {  	_ =	shalt  }
0x56: {  	_ =	shalt  }
0x57: {  	_ =	shalt  }
0x58: {  	_ =	shalt  }
0x59: {  	_ =	shalt  }
0x5a: {  	_ =	shalt  }
0x5b: {  	_ =	shalt  }
0x5c: {  	_ =	shalt  }
0x5d: {  	_ =	shalt  }
0x5e: {  	_ =	shalt  }
0x5f: {  	_ =	shalt  }
0x60: {  	_ =	shalt  }
0x61: {  	_ =	shalt  }
0x62: {  	_ =	shalt  }
0x63: {  	_ =	shalt  }
0x64: {  	_ =	shalt  }
0x65: {  	_ =	shalt  }
0x66: {  	_ =	shalt  }
0x67: {  	_ =	shalt  }
0x68: {  	_ =	shalt  }
0x69: {  	_ =	shalt  }
0x6a: {  	_ =	shalt  }
0x6b: {  	_ =	shalt  }
0x6c: {  	_ =	shalt  }
0x6d: {  	_ =	shalt  }
0x6e: {  	_ =	shalt  }
0x6f: {  	_ =	shalt  }
0x70: {  	_ =	shalt  }
0x71: {  	_ =	shalt  }
0x72: {  	_ =	shalt  }
0x73: {  	_ =	shalt  }
0x74: {  	_ =	shalt  }
0x75: {  	_ =	shalt  }
0x76: {  	_ =	shalt  }
0x77: {  	_ =	shalt  }
0x78: {  	_ =	shalt  }
0x79: {  	_ =	shalt  }
0x7a: {  	_ =	shalt  }
0x7b: {  	_ =	shalt  }
0x7c: {  	_ =	shalt  }
0x7d: {  	_ =	shalt  }
0x7e: {  	_ =	shalt  }
0x7f: {  	_ =	shalt  }
0x80: {  	_ =	shalt  }
0x81: {  	_ =	shalt  }
0x82: {  	_ =	shalt  }
0x83: {  	_ =	shalt  }
0x84: {  	_ =	shalt  }
0x85: {  	_ =	shalt  }
0x86: {  	_ =	shalt  }
0x87: {  	_ =	shalt  }
.Lfunc_end0:
.L_simem_size_0:
called_computation_lowered:
.L_overlay_start_0:
0x88: {  	s2 =	sld [smem:$0x3FD9]  }
0x89: {  	s3 =	sld [smem:$0x3FFE];
	_ =	sdelay $0x1  }
0x8a: {  	s1 =	srdreg.scid  }
0x8b: {  	s0 =	sand.u32 $0x1, s1  }
0x8c: {  	s17 =	sshll.u32 s0, $0xA;
	s2 =	sadd.s32 s3, s2  }
0x8d: {  	s2 =	sadd.s32 s2, s17  }
0x8e: {  	[smem:$0x3FC5] =	sst s2  }
0x8f: {  	_ = 	snop  }
0x90: {  	s2 =	sld [smem:$0x3FD0];
	(tm) =	ssettm $0x1  }
0x91: {  	s18 =	sld [smem:$0x3FFB];
	_ =	sdelay $0x3  }
0x92: {  	_ =	strace s18  }
0x93: {  	s3 =	sld [smem:$0x3FFC];
	_ =	sdelay $0x3  }
0x94: {  	_ =	strace s3  }
0x95: {  	s3 =	sld [smem:$0x3FFD];
	_ =	sdelay $0x3  }
0x96: {  	_ =	strace s3  }
0x97: {  	_ =	strace $0x8FFFFFFF  }
0x98: {  	s19 =	sld [smem:$0x3FDB];
	_ =	sdelay $0x1  }
0x99: {  	s4 =	simm.s32 $_scs_section_size  }
0x9a: {  	s5 =	simm.s32 $_size__tile_overlayer_lowered;
	s6 =	simm.s32 $_tile_overlayer_lowered  }
0x9b: {  	s22 =	simm.s32 $0x1BFF;
	s21 =	sshll.u32 s6, $0x1;
	s3 =	sadd.s32 s4, s19  }
0x9c: {  	s7 =	simm.s32 $0x0;
	s20 =	sshll.u32 s5, $0x1;
	s5 =	sadd.s32 s21, s3  }
0x9d: {  	[timem:s7], [sflag:s22] =	dma.local [hbm:s5], s20  }
0x9e: {  	_ =	swait.ge [sflag:s22], s20  }
0x9f: {  	s4 =	ssub.s32 $0x0, s20;
	[sflag:s22] =	ssyncset.done $0x0  }
0xa0: {  	[sflag:s22] =	ssyncadd.s32 s4;
	_ =	sdelay $0x1  }
0xa1: {  	s23 =	simm.s32 $0x1B8B  }
0xa2: {  	_ =	swait.ge [sflag:s23], $0x1  }
0xa3: {  	[sflag:s23] =	ssyncset.done $0x0  }
0xa4: {  	s25 =	simm.s32 $0x1B8E;
	s24 =	sld [smem:$0x3FFE];
	[sflag:s23] =	ssyncadd.s32 $0xFFFFFFFF  }
0xa5: {  	s26 =	simm.s32 $execute0_lowered;
	[smem:$0x3FD2] =	sst s25  }
0xa6: {  	s5 =	sshll.u32 s26, $0x1;
	_ =	strace $0x80000046;
	[dreg:$0x1] =	wrdreg $0xFFFFFFFF  }
0xa7: {  	s28 =	simm.s32 $_size_execute0_lowered;
	s3 =	sadd.s32 s3, s5;
	[dreg:$0x0] =	wrdreg $0x0  }
0xa8: {  	s5 =	sshll.u32 s28, $0x1;
	[dreg:$0x2] =	wrdreg s3  }
0xa9: {  	[dreg:$0x3] =	wrdreg s5  }
0xaa: {  	[dreg:$0x4] =	wrdreg $0xC0  }
0xab: {  	_ =	task [dreg:s7], $0x5FFFF  }
0xac: {  	[dreg:$0x1] =	wrdreg $0xFFFFFFFF  }
0xad: {  	[dreg:$0x0] =	wrdreg $0x60  }
0xae: {  	[dreg:$0x2] =	wrdreg s24  }
0xaf: {  	[dreg:$0x3] =	wrdreg s2  }
0xb0: {  	[dreg:$0x4] =	wrdreg $0x9  }
0xb1: {  	_ =	task.clear_ibuf [dreg:s7], $0x5FFFF;
	_ =	strace $0x90000046  }
0xb2: {  	s29 =	simm.s32 $0x9;
	_ =	strace $0x80000048  }
0xb3: {  	_ =	swait.ge [sflag:s29], $0x1  }
0xb4: {  	[sflag:s29] =	ssyncadd.s32 $0xFFFFFFFF  }
0xb5: {  	_ =	strace $0x90000048  }
0xb6: {  	_ =	sfence  }
0xb7: {  	s30 =	sld [smem:$0x0];
	_ =	sdelay $0x2  }
0xb8: {  	s31 =	sshll.u32 s1, $0xD;
	s1 =	sshrl.u32 s1, $0x2  }
0xb9: {  	s3 =	sand.u32 $0x4000, s31;
	s1 =	sadd.s32 s1, s30  }
0xba: {  	s0 =	sor.u32 s3, s0;
	s1 =	sshll.u32 s1, $0x11  }
0xbb: {  	s0 =	sor.u32 s1, s0  }
0xbc: {  	s0 =	sadd.s32 $0x8F2B, s0  }
0xbd: {  	[sflag:s0] =	ssyncadd.remote.s32 $0x1  }
0xbe: {  	_ =	sfence.sel $0xFFFF  }
0xbf: {  	[dreg:$0x0] =	wrdreg $0xFFFFFFFF;
	(pc) =	sbr.abs _section_cstart, $3  }
0xc0: {  	[dreg:$0x1] =	wrdreg $0xFFFFFFFF  }
0xc1: {  	_ =	task.clear_ibuf [dreg:s7], $0x2FFFF;
	_ =	strace $0x9FFFFFFF  }
0xc2: {  	(tm) =	ssettm $0x7FFFFFFF  }
0xc3: {  	_ =	shalt  }
tec
execute0_lowered:
.L_overlay_start_1:
0x0: {  	(tag) =	ssettag $0x1  }
0x1: {  	s6 =	rddreg [dreg:$0x0]  }
0x2: {  	s10 =	rddreg [dreg:$0x1]  }
0x3: {  	s0 =	rddreg [dreg:$0x2];
	s2 =	simm.s32 $0x0;
	s4 =	srdreg.scid  }
0x4: {  	s1 =	stileid.u32;
	s14 =	simm.s32 $0x2000;
	s15 =	simm.s32 $0x3000  }
0x5: {  	s16 =	simm.s32 $0x4080;
	s17 =	simm.s32 $0x4880;
	s18 =	simm.s32 $0x5080  }
0x6: {  	s19 =	simm.s32 $0x3080;
	s20 =	simm.s32 $0x0;
	[smem:$0x7FF] =	sst s2  }
0x7: {  	s3 =	sadd.s32 $0x1200, s6;
	s5 =	sand.u32 $0x1, s4;
	s7 =	sshll.u32 s1, $0x1  }
0x8: {  	s4 =	sadd.s32 $0xE00, s6;
	_ =	strace $0x80000047;
	s9 =	sor.u32 s5, s7  }
0x9: {  	s31 =	ssub.s32 $0x2, s5;
	s5 =	sadd.s32 $0x1000, s6;
	s8 =	sshll.u32 s9, $0x8  }
0xa: {  	s11 =	sshrl.u32 s31, $0x1;
	s13 =	sshll.u32 s9, $0x10;
	s12 =	sadd.s32 s8, s6  }
0xb: {  	s6 =	sadd.s32 $0x7400, s6;
	s11 =	ssub.s32 s31, s11;
	s10 =	sadd.s32 s10, s13  }
0xc: {  	s13 =	simm.s32 $0x1000;
	s7 =	sadd.s32 $0x5400, s12;
	s8 =	sadd.s32 $0x1400, s12  }
0xd: {  	s9 =	sadd.s32 $0x3400, s12;
	s11 =	smax.u32 s11, $0x1;
	s12 =	simm.s32 $0x1  }
.LBB2_1:
0xe: {  	[tilespmem:s2], [sflag:$0x1] =	stream.linear.gather [hbm4b:s3+s2], $0x1000, $0x38;
	[tilespmem:$0x5880] =	vst v63  }
0xf: {  	_ =	swait.ge [sflag:s12], $0x1000  }
0x10: {  	[sflag:s12] =	ssyncset.done $0x0  }
0x11: {  	[sflag:s12] =	ssyncadd.s32 $0xFFFFF000  }
0x12: {  	[tilespmem:s13], [sflag:$0x1] =	stream.linear.gather [hbm4b:s4+s2], $0x1000, $0x38;
	[tilespmem:$0x5880] =	vst v63  }
0x13: {  	_ =	swait.ge [sflag:s12], $0x1000  }
0x14: {  	[sflag:s12] =	ssyncset.done $0x0  }
0x15: {  	[sflag:s12] =	ssyncadd.s32 $0xFFFFF000  }
0x16: {  	[tilespmem:s14], [sflag:$0x1] =	stream.linear.gather [hbm4b:s5+s2], $0x1000, $0x38;
	[tilespmem:$0x5880] =	vst v63  }
0x17: {  	_ =	swait.ge [sflag:s12], $0x1000  }
0x18: {  	[sflag:s12] =	ssyncset.done $0x0  }
0x19: {  	[sflag:s12] =	ssyncadd.s32 $0xFFFFF000  }
0x1a: {  	[tilespmem:s15], [sflag:$0x1] =	stream.linear.gather [hbm4b:s6+s2], $0x80, $0x38;
	[tilespmem:$0x5880] =	vst v63  }
0x1b: {  	_ =	swait.ge [sflag:s12], $0x80  }
0x1c: {  	[sflag:s12] =	ssyncset.done $0x0  }
0x1d: {  	[sflag:s12] =	ssyncadd.s32 $0xFFFFFF80  }
0x1e: {  	[tilespmem:s16], [sflag:$0x1] =	stream.linear.gather [hbm4b:s7+s2], $0x800, $0x38;
	[tilespmem:$0x5880] =	vst v63  }
0x1f: {  	_ =	swait.ge [sflag:s12], $0x800  }
0x20: {  	[sflag:s12] =	ssyncset.done $0x0  }
0x21: {  	[sflag:s12] =	ssyncadd.s32 $0xFFFFF800  }
0x22: {  	[tilespmem:s17], [sflag:$0x1] =	stream.linear.gather [hbm4b:s8+s2], $0x800, $0x38;
	[tilespmem:$0x5880] =	vst v63  }
0x23: {  	_ =	swait.ge [sflag:s12], $0x800  }
0x24: {  	[sflag:s12] =	ssyncset.done $0x0  }
0x25: {  	[sflag:s12] =	ssyncadd.s32 $0xFFFFF800  }
0x26: {  	[tilespmem:s18], [sflag:$0x1] =	stream.linear.gather [hbm4b:s9+s2], $0x800, $0x38;
	[tilespmem:$0x5880] =	vst v63  }
0x27: {  	_ =	swait.ge [sflag:s12], $0x800  }
0x28: {  	[sflag:s12] =	ssyncset.done $0x0  }
0x29: {  	[sflag:s12] =	ssyncadd.s32 $0xFFFFF800  }
0x2a: {  	v0 =	vld [tilespmem:$0x3000]  }
0x2b: {  	s21 =	simm.s32 $0x0;
	v1 =	vld [tilespmem:$0x3010]  }
.LBB2_2:
0x2c: {  	s22 =	sshll.u32 s21, $0x4  }
0x2d: {  	v2 =	vld [tilespmem:s22+$0x4080]  }
0x2e: {  	s24 =	simm.s32 $0x1020;
	v3 =	vld [tilespmem:s22+$0x4880]  }
0x2f: {  	s26 =	simm.s32 $0x20;
	v5 =	vld [tilespmem:s24+$0xFFFFFFE0]  }
0x30: {  	v6 =	vld [tilespmem:s26+$0xFFFFFFE0]  }
0x31: {  	v4 =	vld [tilespmem:s22+$0x5080];
	s22 =	simm.s32 $0x2020  }
0x32: {  	v7 =	vld [tilespmem:s22+$0xFFFFFFE0];
	_ =	sdelay $0x2  }
0x33: {  	v5 =	vsub.f32 v5, v3;
	v6 =	vsub.f32 v6, v2;
	_ =	sdelay $0x1  }
0x34: {  	v7 =	vsub.f32 v7, v4;
	v5 =	vand.u32 $0x7FFFFFFF, v5;
	v6 =	vand.u32 $0x7FFFFFFF, v6  }
0x35: {  	v8 =	vsub.f32 $1.000000000e+00, v5;
	v9 =	vsub.f32 $1.000000000e+00, v6  }
0x36: {  	v7 =	vand.u32 $0x7FFFFFFF, v7  }
0x37: {  	v5 =	vmin.f32 v5, v8;
	v6 =	vmin.f32 v6, v9;
	v8 =	vsub.f32 $1.000000000e+00, v7  }
0x38: {  	v5 =	vmul.f32 v5, v5;
	v6 =	vmul.f32 v6, v6  }
0x39: {  	v7 =	vmin.f32 v7, v8  }
0x3a: {  	v5 =	vadd.f32 v5, v6;
	v6 =	vmul.f32 v7, v7;
	_ =	sdelay $0x1  }
0x3b: {  	v5 =	vadd.f32 v6, v5;
	_ =	sdelay $0x1  }
0x3c: {  	v6 =	vshrl.u32 v5, $0x1;
	v7 =	vmul.f32 $5.000000000e-01, v5  }
0x3d: {  	v6 =	vsub.s32 $0x5F3759DF, v6  }
0x3e: {  	v8 =	vmul.f32 v6, v7;
	_ =	sdelay $0x1  }
0x3f: {  	v8 =	vmul.f32 v6, v8;
	_ =	sdelay $0x1  }
0x40: {  	v8 =	vsub.f32 $1.500000000e+00, v8;
	_ =	sdelay $0x1  }
0x41: {  	v6 =	vmul.f32 v6, v8;
	_ =	sdelay $0x1  }
0x42: {  	v8 =	vmul.f32 v6, v7;
	_ =	sdelay $0x1  }
0x43: {  	v8 =	vmul.f32 v8, v6;
	_ =	sdelay $0x1  }
0x44: {  	v8 =	vsub.f32 $1.500000000e+00, v8;
	_ =	sdelay $0x1  }
0x45: {  	v6 =	vmul.f32 v8, v6;
	_ =	sdelay $0x1  }
0x46: {  	v7 =	vmul.f32 v6, v7;
	_ =	sdelay $0x1  }
0x47: {  	v7 =	vmul.f32 v7, v6;
	_ =	sdelay $0x1  }
0x48: {  	v7 =	vsub.f32 $1.500000000e+00, v7;
	_ =	sdelay $0x1  }
0x49: {  	v6 =	vmul.f32 v7, v6;
	_ =	sdelay $0x1  }
0x4a: {  	v6 =	vmul.f32 v6, v5;
	_ =	sdelay $0x1  }
0x4b: {  	v6 =	vmul.f32 v6, v0  }
0x4c: {  	vm0 =	vlt.f32 v5, $0.0e+00;
	vm1 =	vgt.f32 v5, $0.0e+00  }
0x4d: {  	vm9 =	vlt.f32 v5, $6.250000000e-02;
	vm0 =	vmor vm1, vm0;
	v5 =	vadd.f32 v6, v1  }
0x4e: {  	vm0 =	vmand vm9, vm0  }
0x4f: {  	s23 =	simm.s32 $0x30A0;
	v5 =	vnsel vm0, $0x0, v5  }
0x50: {  	[tilespmem:s23+$0xFFFFFFE0] =	vst v5  }
0x51: {  	v5 =	vld [tilespmem:s24+$0xFFFFFFF0]  }
0x52: {  	v6 =	vld [tilespmem:s26+$0xFFFFFFF0];
	_ =	sdelay $0x1  }
0x53: {  	v7 =	vld [tilespmem:s22+$0xFFFFFFF0];
	_ =	sdelay $0x2  }
0x54: {  	v5 =	vsub.f32 v5, v3;
	v6 =	vsub.f32 v6, v2;
	_ =	sdelay $0x1  }
0x55: {  	v7 =	vsub.f32 v7, v4;
	v5 =	vand.u32 $0x7FFFFFFF, v5;
	v6 =	vand.u32 $0x7FFFFFFF, v6  }
0x56: {  	v8 =	vsub.f32 $1.000000000e+00, v5;
	v62 =	vsub.f32 $1.000000000e+00, v6  }
0x57: {  	v7 =	vand.u32 $0x7FFFFFFF, v7  }
0x58: {  	v5 =	vmin.f32 v5, v8;
	v6 =	vmin.f32 v6, v62;
	v8 =	vsub.f32 $1.000000000e+00, v7  }
0x59: {  	v6 =	vmul.f32 v6, v6;
	v5 =	vmul.f32 v5, v5  }
0x5a: {  	v7 =	vmin.f32 v7, v8  }
0x5b: {  	v5 =	vadd.f32 v5, v6;
	v6 =	vmul.f32 v7, v7;
	_ =	sdelay $0x1  }
0x5c: {  	v5 =	vadd.f32 v6, v5;
	_ =	sdelay $0x1  }
0x5d: {  	v6 =	vshrl.u32 v5, $0x1;
	v7 =	vmul.f32 $5.000000000e-01, v5  }
0x5e: {  	v6 =	vsub.s32 $0x5F3759DF, v6  }
0x5f: {  	v8 =	vmul.f32 v6, v7;
	_ =	sdelay $0x1  }
0x60: {  	v8 =	vmul.f32 v6, v8;
	_ =	sdelay $0x1  }
0x61: {  	v8 =	vsub.f32 $1.500000000e+00, v8;
	_ =	sdelay $0x1  }
0x62: {  	v6 =	vmul.f32 v6, v8;
	_ =	sdelay $0x1  }
0x63: {  	v8 =	vmul.f32 v6, v7;
	_ =	sdelay $0x1  }
0x64: {  	v8 =	vmul.f32 v8, v6;
	_ =	sdelay $0x1  }
0x65: {  	v8 =	vsub.f32 $1.500000000e+00, v8;
	_ =	sdelay $0x1  }
0x66: {  	v6 =	vmul.f32 v8, v6;
	_ =	sdelay $0x1  }
0x67: {  	v7 =	vmul.f32 v6, v7;
	_ =	sdelay $0x1  }
0x68: {  	v7 =	vmul.f32 v7, v6;
	_ =	sdelay $0x1  }
0x69: {  	v7 =	vsub.f32 $1.500000000e+00, v7;
	_ =	sdelay $0x1  }
0x6a: {  	v6 =	vmul.f32 v7, v6;
	_ =	sdelay $0x1  }
0x6b: {  	v6 =	vmul.f32 v6, v5;
	_ =	sdelay $0x1  }
0x6c: {  	v6 =	vmul.f32 v6, v0  }
0x6d: {  	vm10 =	vlt.f32 v5, $0.0e+00;
	vm11 =	vgt.f32 v5, $0.0e+00  }
0x6e: {  	vm12 =	vlt.f32 v5, $6.250000000e-02;
	vm0 =	vmor vm11, vm10;
	v5 =	vadd.f32 v6, v1  }
0x6f: {  	vm0 =	vmand vm12, vm0  }
0x70: {  	v5 =	vnsel vm0, $0x0, v5  }
0x71: {  	[tilespmem:s23+$0xFFFFFFF0] =	vst v5  }
0x72: {  	v5 =	vld [tilespmem:s26+$0x0]  }
0x73: {  	v6 =	vld [tilespmem:s24+$0x0];
	_ =	sdelay $0x1  }
0x74: {  	v7 =	vld [tilespmem:s22+$0x0];
	_ =	sdelay $0x2  }
0x75: {  	v5 =	vsub.f32 v5, v2;
	v6 =	vsub.f32 v6, v3;
	_ =	sdelay $0x1  }
0x76: {  	v7 =	vsub.f32 v7, v4;
	v5 =	vand.u32 $0x7FFFFFFF, v5;
	v6 =	vand.u32 $0x7FFFFFFF, v6  }
0x77: {  	v8 =	vsub.f32 $1.000000000e+00, v5;
	v63 =	vsub.f32 $1.000000000e+00, v6  }
0x78: {  	v7 =	vand.u32 $0x7FFFFFFF, v7  }
0x79: {  	v5 =	vmin.f32 v5, v8;
	v6 =	vmin.f32 v6, v63;
	v8 =	vsub.f32 $1.000000000e+00, v7  }
0x7a: {  	v5 =	vmul.f32 v5, v5;
	v6 =	vmul.f32 v6, v6  }
0x7b: {  	v7 =	vmin.f32 v7, v8  }
0x7c: {  	v5 =	vadd.f32 v6, v5;
	v6 =	vmul.f32 v7, v7;
	_ =	sdelay $0x1  }
0x7d: {  	v5 =	vadd.f32 v6, v5;
	_ =	sdelay $0x1  }
0x7e: {  	v6 =	vshrl.u32 v5, $0x1;
	v7 =	vmul.f32 $5.000000000e-01, v5  }
0x7f: {  	v6 =	vsub.s32 $0x5F3759DF, v6  }
0x80: {  	v8 =	vmul.f32 v6, v7;
	_ =	sdelay $0x1  }
0x81: {  	v8 =	vmul.f32 v6, v8;
	_ =	sdelay $0x1  }
0x82: {  	v8 =	vsub.f32 $1.500000000e+00, v8;
	_ =	sdelay $0x1  }
0x83: {  	v6 =	vmul.f32 v6, v8;
	_ =	sdelay $0x1  }
0x84: {  	v8 =	vmul.f32 v6, v7;
	_ =	sdelay $0x1  }
0x85: {  	v8 =	vmul.f32 v8, v6;
	_ =	sdelay $0x1  }
0x86: {  	v8 =	vsub.f32 $1.500000000e+00, v8;
	_ =	sdelay $0x1  }
0x87: {  	v6 =	vmul.f32 v8, v6;
	_ =	sdelay $0x1  }
0x88: {  	v7 =	vmul.f32 v6, v7;
	_ =	sdelay $0x1  }
0x89: {  	v7 =	vmul.f32 v7, v6;
	_ =	sdelay $0x1  }
0x8a: {  	v7 =	vsub.f32 $1.500000000e+00, v7;
	_ =	sdelay $0x1  }
0x8b: {  	v6 =	vmul.f32 v7, v6;
	_ =	sdelay $0x1  }
0x8c: {  	v6 =	vmul.f32 v6, v5;
	_ =	sdelay $0x1  }
0x8d: {  	v6 =	vmul.f32 v6, v0  }
0x8e: {  	vm13 =	vlt.f32 v5, $0.0e+00;
	vm14 =	vgt.f32 v5, $0.0e+00  }
0x8f: {  	vm15 =	vlt.f32 v5, $6.250000000e-02;
	vm0 =	vmor vm14, vm13;
	v5 =	vadd.f32 v6, v1  }
0x90: {  	vm0 =	vmand vm15, vm0  }
0x91: {  	v5 =	vnsel vm0, $0x0, v5  }
0x92: {  	[tilespmem:s23+$0x0] =	vst v5  }
0x93: {  	s25 =	simm.s32 $0x0;
	v5 =	vld [tilespmem:s26+$0x10]  }
0x94: {  	s28 =	simm.s32 $0x60;
	v6 =	vld [tilespmem:s24+$0x10];
	s26 =	simm.s32 $0x1060;
	s24 =	simm.s32 $0x30A0  }
.LBB2_3:
0x95: {  	s25 =	sadd.s32 $0x4, s25;
	v7 =	vld [tilespmem:s22+$0x10];
	s23 =	sadd.s32 $0x40, s23;
	s22 =	sadd.s32 $0x40, s22  }
0x96: {  	p0 =	slt.u32 s25, $0xFC;
	_ =	sdelay $0x1  }
0x97: {  	v5 =	vsub.f32 v5, v2  }
0x98: {  	v6 =	vsub.f32 v6, v3  }
0x99: {  	v5 =	vand.u32 $0x7FFFFFFF, v5;
	v7 =	vsub.f32 v7, v4  }
0x9a: {  	v8 =	vsub.f32 $1.000000000e+00, v5;
	v6 =	vand.u32 $0x7FFFFFFF, v6  }
0x9b: {  	v9 =	vsub.f32 $1.000000000e+00, v6;
	v7 =	vand.u32 $0x7FFFFFFF, v7  }
0x9c: {  	v5 =	vmin.f32 v5, v8;
	v8 =	vsub.f32 $1.000000000e+00, v7  }
0x9d: {  	v5 =	vmul.f32 v5, v5;
	v6 =	vmin.f32 v6, v9  }
0x9e: {  	v6 =	vmul.f32 v6, v6;
	v7 =	vmin.f32 v7, v8  }
0x9f: {  	v7 =	vmul.f32 v7, v7  }
0xa0: {  	v5 =	vadd.f32 v6, v5;
	_ =	sdelay $0x1  }
0xa1: {  	v5 =	vadd.f32 v7, v5;
	_ =	sdelay $0x1  }
0xa2: {  	vm0 =	vlt.f32 v5, $0.0e+00;
	v6 =	vshrl.u32 v5, $0x1;
	v7 =	vmul.f32 $5.000000000e-01, v5  }
0xa3: {  	vm1 =	vgt.f32 v5, $0.0e+00;
	v6 =	vsub.s32 $0x5F3759DF, v6  }
0xa4: {  	vm0 =	vmor vm1, vm0;
	v8 =	vmul.f32 v6, v7;
	_ =	sdelay $0x1  }
0xa5: {  	v8 =	vmul.f32 v6, v8;
	_ =	sdelay $0x1  }
0xa6: {  	v8 =	vsub.f32 $1.500000000e+00, v8;
	_ =	sdelay $0x1  }
0xa7: {  	v6 =	vmul.f32 v6, v8;
	_ =	sdelay $0x1  }
0xa8: {  	v8 =	vmul.f32 v6, v7;
	_ =	sdelay $0x1  }
0xa9: {  	v8 =	vmul.f32 v8, v6;
	_ =	sdelay $0x1  }
0xaa: {  	v8 =	vsub.f32 $1.500000000e+00, v8;
	_ =	sdelay $0x1  }
0xab: {  	v6 =	vmul.f32 v8, v6;
	_ =	sdelay $0x1  }
0xac: {  	v7 =	vmul.f32 v6, v7;
	_ =	sdelay $0x1  }
0xad: {  	v7 =	vmul.f32 v7, v6;
	_ =	sdelay $0x1  }
0xae: {  	v7 =	vsub.f32 $1.500000000e+00, v7;
	_ =	sdelay $0x1  }
0xaf: {  	v6 =	vmul.f32 v7, v6;
	_ =	sdelay $0x1  }
0xb0: {  	v6 =	vmul.f32 v6, v5;
	_ =	sdelay $0x1  }
0xb1: {  	v6 =	vmul.f32 v6, v0  }
0xb2: {  	vm1 =	vlt.f32 v5, $6.250000000e-02  }
0xb3: {  	vm0 =	vmand vm1, vm0;
	v5 =	vadd.f32 v6, v1;
	_ =	sdelay $0x1  }
0xb4: {  	v5 =	vnsel vm0, $0x0, v5  }
0xb5: {  	[tilespmem:s24+$0x10] =	vst v5;
	s24 =	smov.u32 s23  }
0xb6: {  	v5 =	vld [tilespmem:s26+$0xFFFFFFE0]  }
0xb7: {  	v6 =	vld [tilespmem:s28+$0xFFFFFFE0];
	_ =	sdelay $0x1  }
0xb8: {  	v7 =	vld [tilespmem:s22+$0xFFFFFFE0];
	_ =	sdelay $0x1  }
0xb9: {  	v5 =	vsub.f32 v5, v3  }
0xba: {  	v6 =	vsub.f32 v6, v2  }
0xbb: {  	v5 =	vand.u32 $0x7FFFFFFF, v5  }
0xbc: {  	v6 =	vand.u32 $0x7FFFFFFF, v6;
	v8 =	vsub.f32 $1.000000000e+00, v5;
	v7 =	vsub.f32 v7, v4  }
0xbd: {  	v9 =	vsub.f32 $1.000000000e+00, v6  }
0xbe: {  	v5 =	vmin.f32 v5, v8;
	v7 =	vand.u32 $0x7FFFFFFF, v7  }
0xbf: {  	v6 =	vmin.f32 v6, v9;
	v5 =	vmul.f32 v5, v5;
	v8 =	vsub.f32 $1.000000000e+00, v7  }
0xc0: {  	v6 =	vmul.f32 v6, v6  }
0xc1: {  	v7 =	vmin.f32 v7, v8  }
0xc2: {  	v5 =	vadd.f32 v5, v6;
	v6 =	vmul.f32 v7, v7;
	_ =	sdelay $0x1  }
0xc3: {  	v5 =	vadd.f32 v6, v5;
	_ =	sdelay $0x1  }
0xc4: {  	vm0 =	vlt.f32 v5, $0.0e+00;
	v6 =	vshrl.u32 v5, $0x1;
	v7 =	vmul.f32 $5.000000000e-01, v5  }
0xc5: {  	vm1 =	vgt.f32 v5, $0.0e+00;
	v6 =	vsub.s32 $0x5F3759DF, v6  }
0xc6: {  	vm0 =	vmor vm1, vm0;
	v8 =	vmul.f32 v6, v7;
	_ =	sdelay $0x1  }
0xc7: {  	v8 =	vmul.f32 v6, v8;
	_ =	sdelay $0x1  }
0xc8: {  	v8 =	vsub.f32 $1.500000000e+00, v8;
	_ =	sdelay $0x1  }
0xc9: {  	v6 =	vmul.f32 v6, v8;
	_ =	sdelay $0x1  }
0xca: {  	v8 =	vmul.f32 v6, v7;
	_ =	sdelay $0x1  }
0xcb: {  	v8 =	vmul.f32 v8, v6;
	_ =	sdelay $0x1  }
0xcc: {  	v8 =	vsub.f32 $1.500000000e+00, v8;
	_ =	sdelay $0x1  }
0xcd: {  	v6 =	vmul.f32 v8, v6;
	_ =	sdelay $0x1  }
0xce: {  	v7 =	vmul.f32 v6, v7;
	_ =	sdelay $0x1  }
0xcf: {  	v7 =	vmul.f32 v7, v6;
	_ =	sdelay $0x1  }
0xd0: {  	v7 =	vsub.f32 $1.500000000e+00, v7;
	_ =	sdelay $0x1  }
0xd1: {  	v6 =	vmul.f32 v7, v6;
	_ =	sdelay $0x1  }
0xd2: {  	v6 =	vmul.f32 v6, v5;
	_ =	sdelay $0x1  }
0xd3: {  	v6 =	vmul.f32 v6, v0;
	_ =	sdelay $0x1  }
0xd4: {  	vm1 =	vlt.f32 v5, $6.250000000e-02;
	v5 =	vadd.f32 v6, v1  }
0xd5: {  	vm0 =	vmand vm1, vm0  }
0xd6: {  	v5 =	vnsel vm0, $0x0, v5  }
0xd7: {  	[tilespmem:s23+$0xFFFFFFE0] =	vst v5  }
0xd8: {  	v5 =	vld [tilespmem:s26+$0xFFFFFFF0]  }
0xd9: {  	v6 =	vld [tilespmem:s28+$0xFFFFFFF0];
	_ =	sdelay $0x1  }
0xda: {  	v7 =	vld [tilespmem:s22+$0xFFFFFFF0];
	_ =	sdelay $0x1  }
0xdb: {  	v5 =	vsub.f32 v5, v3  }
0xdc: {  	v6 =	vsub.f32 v6, v2  }
0xdd: {  	v5 =	vand.u32 $0x7FFFFFFF, v5  }
0xde: {  	v6 =	vand.u32 $0x7FFFFFFF, v6;
	v8 =	vsub.f32 $1.000000000e+00, v5;
	v7 =	vsub.f32 v7, v4  }
0xdf: {  	v9 =	vsub.f32 $1.000000000e+00, v6  }
0xe0: {  	v5 =	vmin.f32 v5, v8;
	v7 =	vand.u32 $0x7FFFFFFF, v7  }
0xe1: {  	v6 =	vmin.f32 v6, v9;
	v8 =	vsub.f32 $1.000000000e+00, v7  }
0xe2: {  	v5 =	vmul.f32 v5, v5;
	v6 =	vmul.f32 v6, v6  }
0xe3: {  	v7 =	vmin.f32 v7, v8  }
0xe4: {  	v5 =	vadd.f32 v5, v6;
	v6 =	vmul.f32 v7, v7;
	_ =	sdelay $0x1  }
0xe5: {  	v5 =	vadd.f32 v6, v5;
	_ =	sdelay $0x1  }
0xe6: {  	vm0 =	vlt.f32 v5, $0.0e+00;
	v6 =	vshrl.u32 v5, $0x1;
	v7 =	vmul.f32 $5.000000000e-01, v5  }
0xe7: {  	vm1 =	vgt.f32 v5, $0.0e+00;
	v6 =	vsub.s32 $0x5F3759DF, v6  }
0xe8: {  	vm0 =	vmor vm1, vm0;
	v8 =	vmul.f32 v6, v7;
	_ =	sdelay $0x1  }
0xe9: {  	v8 =	vmul.f32 v6, v8;
	_ =	sdelay $0x1  }
0xea: {  	v8 =	vsub.f32 $1.500000000e+00, v8;
	_ =	sdelay $0x1  }
0xeb: {  	v6 =	vmul.f32 v6, v8;
	_ =	sdelay $0x1  }
0xec: {  	v8 =	vmul.f32 v6, v7;
	_ =	sdelay $0x1  }
0xed: {  	v8 =	vmul.f32 v8, v6;
	_ =	sdelay $0x1  }
0xee: {  	v8 =	vsub.f32 $1.500000000e+00, v8;
	_ =	sdelay $0x1  }
0xef: {  	v6 =	vmul.f32 v8, v6;
	_ =	sdelay $0x1  }
0xf0: {  	v7 =	vmul.f32 v6, v7;
	_ =	sdelay $0x1  }
0xf1: {  	v7 =	vmul.f32 v7, v6;
	_ =	sdelay $0x1  }
0xf2: {  	v7 =	vsub.f32 $1.500000000e+00, v7;
	_ =	sdelay $0x1  }
0xf3: {  	v6 =	vmul.f32 v7, v6;
	_ =	sdelay $0x1  }
0xf4: {  	v6 =	vmul.f32 v6, v5;
	_ =	sdelay $0x1  }
0xf5: {  	v6 =	vmul.f32 v6, v0;
	_ =	sdelay $0x1  }
0xf6: {  	vm1 =	vlt.f32 v5, $6.250000000e-02;
	v5 =	vadd.f32 v6, v1  }
0xf7: {  	vm0 =	vmand vm1, vm0  }
0xf8: {  	v5 =	vnsel vm0, $0x0, v5  }
0xf9: {  	[tilespmem:s23+$0xFFFFFFF0] =	vst v5  }
0xfa: {  	v5 =	vld [tilespmem:s28+$0x0]  }
0xfb: {  	v6 =	vld [tilespmem:s26+$0x0];
	_ =	sdelay $0x1  }
0xfc: {  	v7 =	vld [tilespmem:s22+$0x0];
	_ =	sdelay $0x1  }
0xfd: {  	v5 =	vsub.f32 v5, v2  }
0xfe: {  	v6 =	vsub.f32 v6, v3  }
0xff: {  	v5 =	vand.u32 $0x7FFFFFFF, v5  }
0x100: {  	v8 =	vsub.f32 $1.000000000e+00, v5;
	v6 =	vand.u32 $0x7FFFFFFF, v6;
	v7 =	vsub.f32 v7, v4  }
0x101: {  	v9 =	vsub.f32 $1.000000000e+00, v6  }
0x102: {  	v5 =	vmin.f32 v5, v8;
	v7 =	vand.u32 $0x7FFFFFFF, v7  }
0x103: {  	v6 =	vmin.f32 v6, v9;
	v8 =	vsub.f32 $1.000000000e+00, v7  }
0x104: {  	v5 =	vmul.f32 v5, v5;
	v6 =	vmul.f32 v6, v6  }
0x105: {  	v7 =	vmin.f32 v7, v8  }
0x106: {  	v5 =	vadd.f32 v6, v5;
	v6 =	vmul.f32 v7, v7;
	_ =	sdelay $0x1  }
0x107: {  	v5 =	vadd.f32 v6, v5;
	_ =	sdelay $0x1  }
0x108: {  	vm0 =	vlt.f32 v5, $0.0e+00;
	v6 =	vshrl.u32 v5, $0x1;
	v7 =	vmul.f32 $5.000000000e-01, v5  }
0x109: {  	vm1 =	vgt.f32 v5, $0.0e+00;
	v6 =	vsub.s32 $0x5F3759DF, v6  }
0x10a: {  	vm0 =	vmor vm1, vm0;
	v8 =	vmul.f32 v6, v7;
	_ =	sdelay $0x1  }
0x10b: {  	v8 =	vmul.f32 v6, v8;
	_ =	sdelay $0x1  }
0x10c: {  	v8 =	vsub.f32 $1.500000000e+00, v8;
	_ =	sdelay $0x1  }
0x10d: {  	v6 =	vmul.f32 v6, v8;
	_ =	sdelay $0x1  }
0x10e: {  	v8 =	vmul.f32 v6, v7;
	_ =	sdelay $0x1  }
0x10f: {  	v8 =	vmul.f32 v8, v6;
	_ =	sdelay $0x1  }
0x110: {  	v8 =	vsub.f32 $1.500000000e+00, v8;
	_ =	sdelay $0x1  }
0x111: {  	v6 =	vmul.f32 v8, v6;
	_ =	sdelay $0x1  }
0x112: {  	v7 =	vmul.f32 v6, v7;
	_ =	sdelay $0x1  }
0x113: {  	v7 =	vmul.f32 v7, v6;
	_ =	sdelay $0x1  }
0x114: {  	v7 =	vsub.f32 $1.500000000e+00, v7;
	_ =	sdelay $0x1  }
0x115: {  	v6 =	vmul.f32 v7, v6;
	_ =	sdelay $0x1  }
0x116: {  	v6 =	vmul.f32 v6, v5;
	_ =	sdelay $0x1  }
0x117: {  	v6 =	vmul.f32 v6, v0;
	_ =	sdelay $0x1  }
0x118: {  	vm1 =	vlt.f32 v5, $6.250000000e-02;
	v5 =	vadd.f32 v6, v1  }
.Ltmp0:
0x119: {  	vm0 =	vmand vm1, vm0;
	(pc) =	sbr.rel @p0 .LBB2_3-.Ltmp0, $4  }
0x11a: {  	v5 =	vnsel vm0, $0x0, v5  }
0x11b: {  	[tilespmem:s23+$0x0] =	vst v5  }
0x11c: {  	v5 =	vld [tilespmem:s28+$0x10]  }
0x11d: {  	s28 =	sadd.s32 $0x40, s28;
	v6 =	vld [tilespmem:s26+$0x10];
	s26 =	sadd.s32 $0x40, s26  }
0x11e: {  	_ = 	snop  }
0x11f: {  	v7 =	vld [tilespmem:s22+$0x10];
	_ =	sdelay $0x2  }
0x120: {  	v2 =	vsub.f32 v5, v2;
	v3 =	vsub.f32 v6, v3;
	_ =	sdelay $0x1  }
0x121: {  	v2 =	vand.u32 $0x7FFFFFFF, v2;
	v4 =	vsub.f32 v7, v4;
	v3 =	vand.u32 $0x7FFFFFFF, v3  }
0x122: {  	v60 =	vsub.f32 $1.000000000e+00, v2;
	v61 =	vsub.f32 $1.000000000e+00, v3  }
0x123: {  	v4 =	vand.u32 $0x7FFFFFFF, v4  }
0x124: {  	v2 =	vmin.f32 v2, v60;
	v62 =	vsub.f32 $1.000000000e+00, v4;
	v3 =	vmin.f32 v3, v61  }
0x125: {  	v2 =	vmul.f32 v2, v2;
	v3 =	vmul.f32 v3, v3  }
0x126: {  	v4 =	vmin.f32 v4, v62  }
0x127: {  	v4 =	vmul.f32 v4, v4;
	v2 =	vadd.f32 v3, v2;
	_ =	sdelay $0x1  }
0x128: {  	v2 =	vadd.f32 v4, v2;
	_ =	sdelay $0x1  }
0x129: {  	v3 =	vshrl.u32 v2, $0x1;
	v4 =	vmul.f32 $5.000000000e-01, v2  }
0x12a: {  	v3 =	vsub.s32 $0x5F3759DF, v3  }
0x12b: {  	v63 =	vmul.f32 v3, v4;
	_ =	sdelay $0x1  }
0x12c: {  	v5 =	vmul.f32 v3, v63;
	_ =	sdelay $0x1  }
0x12d: {  	v5 =	vsub.f32 $1.500000000e+00, v5;
	_ =	sdelay $0x1  }
0x12e: {  	v3 =	vmul.f32 v3, v5;
	_ =	sdelay $0x1  }
0x12f: {  	v5 =	vmul.f32 v3, v4;
	_ =	sdelay $0x1  }
0x130: {  	v5 =	vmul.f32 v5, v3;
	_ =	sdelay $0x1  }
0x131: {  	v5 =	vsub.f32 $1.500000000e+00, v5;
	_ =	sdelay $0x1  }
0x132: {  	v3 =	vmul.f32 v5, v3;
	_ =	sdelay $0x1  }
0x133: {  	v4 =	vmul.f32 v3, v4;
	_ =	sdelay $0x1  }
0x134: {  	v4 =	vmul.f32 v4, v3;
	_ =	sdelay $0x1  }
0x135: {  	v4 =	vsub.f32 $1.500000000e+00, v4;
	_ =	sdelay $0x1  }
0x136: {  	v3 =	vmul.f32 v4, v3;
	_ =	sdelay $0x1  }
0x137: {  	v3 =	vmul.f32 v3, v2;
	_ =	sdelay $0x1  }
0x138: {  	v3 =	vmul.f32 v3, v0  }
0x139: {  	vm0 =	vlt.f32 v2, $0.0e+00;
	vm1 =	vgt.f32 v2, $0.0e+00  }
0x13a: {  	vm15 =	vlt.f32 v2, $6.250000000e-02;
	vm0 =	vmor vm1, vm0;
	v2 =	vadd.f32 v3, v1  }
0x13b: {  	s31 =	sshll.u32 s21, $0x9;
	s21 =	sadd.s32 $0x1, s21;
	vm0 =	vmand vm15, vm0  }
0x13c: {  	p0 =	sne.s32 s21, $0x80;
	v2 =	vnsel vm0, $0x0, v2  }
.Ltmp1:
0x13d: {  	s22 =	sadd.s32 s31, s10;
	[tilespmem:s24+$0x10] =	vst v2;
	(pc) =	sbr.rel @p0 .LBB2_2-.Ltmp1, $4  }
0x13e: {  	[hbm4b:s22+s2] =	stream.linear.scatter [tilespmem:s19], [sflag:$0x1], $0x1000, $0x38;
	[tilespmem:$0x5880] =	vst v63  }
0x13f: {  	_ =	swait.ge [sflag:s12], $0x1000  }
0x140: {  	[sflag:s12] =	ssyncset.done $0x0  }
0x141: {  	[sflag:s12] =	ssyncadd.s32 $0xFFFFF000  }
0x142: {  	s20 =	sadd.s32 $0x1, s20  }
0x143: {  	p0 =	sne.s32 s20, s11  }
.Ltmp2:
0x144: {  	_ = 	snop;
	(pc) =	sbr.rel @p0 .LBB2_1-.Ltmp2, $1  }
0x145: {  	_ =	sdelay $0x3  }
0x146: {  	_ =	sfence.sel $0x180000  }
0x147: {  	[bflag:$0x0] =	sbarrier.arrive $0xFFFF  }
0x148: {  	p0 =	sne.s32 s1, $0x0;
	_ =	strace $0x90000047  }
0x149: {  	s0 =	sadd.s32 @!p0 $0x100000, s0;
	[bflag:$0x2] =	sbarrier.arrive $0xFFFF  }
0x14a: {  	[sflag:s0] =	ssyncadd.tile.s32 @!p0 $0x1;
	_ =	shalt  }
.Lfunc_end2:
_tile_overlayer_lowered:
.L_overlay_start_2:
0x14b: {  	(tag) =	ssettag $0x2  }
0x14c: {  	s0 =	rddreg [dreg:$0x0];
	s2 =	stileid.u32  }
0x14d: {  	s1 =	rddreg [dreg:$0x1];
	p0 =	sne.s32 s2, $0x0  }
0x14e: {  	s3 =	rddreg [dreg:$0x2];
	[bflag:$0x3] =	sbarrier.arrive $0xFFFF;
	s2 =	simm.s32 @!p0 $0x1C01  }
0x14f: {  	[timem:s3], [sflag:s2] =	dma.local @!p0 [hbm:s0], s1  }
0x150: {  	s0 =	simm.s32 @!p0 $0x1  }
0x151: {  	_ =	swait.ge @!p0 [sflag:s0], s1  }
0x152: {  	s1 =	ssub.s32 @!p0 $0x0, s1;
	[sflag:s0] =	ssyncset.done @!p0 $0x0  }
0x153: {  	[sflag:s0] =	ssyncadd.s32 @!p0 s1  }
0x154: {  	[bflag:$0x3] =	sbarrier.arrive $0xFFFF  }
0x155: {  	_ =	shalt  }

</sc_bundles>
